<compile_context>
chip_gen: v7x
topology: tpu7x:2x2x1
jax: 0.10.2.dev20260603
libtpu: 0.0.44.dev20260713+nightly
codegen_flags: <defaults>
</compile_context>

<pallas_src>
import jax
import jax.numpy as jnp
from jax import lax
from jax.experimental import pallas as pl
from jax.experimental.pallas import tpu as pltpu
from jax.experimental.pallas import tpu_sc as plsc

NC = 2
NS = 16
NW = NC * NS
CHUNK = 128
GROUP = 8
CHUNK_A = 128


def _sc_mesh():
    return plsc.VectorSubcoreMesh(core_axis_name="c", subcore_axis_name="s")


def _degree_kernel(n_acc, c_chunks):
    rt = n_acc // NS
    n_groups = c_chunks // GROUP
    assert c_chunks % (2 * GROUP) == 0

    def body(dst_hbm, zeros_hbm, ones_hbm, out_hbm, idx_g, ones_v, stage_v,
             isem0, isem1, deg_sp):
        isems = (isem0, isem1)
        cid = lax.axis_index("c")
        sid = lax.axis_index("s")
        w = cid * NS + sid
        r0 = sid * rt
        pltpu.sync_copy(zeros_hbm, stage_v)
        pltpu.sync_copy(stage_v, deg_sp.at[pl.ds(r0, rt)])
        pltpu.sync_copy(ones_hbm, ones_v)
        pltpu.sync_copy(dst_hbm.at[w, pl.ds(0, GROUP)], idx_g.at[0])
        plsc.subcore_barrier()

        def pair(i, carry):
            for p in range(2):
                g = i * 2 + p

                @pl.when(g >= 1)
                def _():
                    pltpu.make_async_copy(dst_hbm.at[w, pl.ds(0, GROUP)],
                                          idx_g.at[p], isems[p]).wait()

                @pl.when(g + 1 < n_groups)
                def _():
                    pltpu.async_copy(
                        dst_hbm.at[w, pl.ds((g + 1) * GROUP, GROUP)],
                        idx_g.at[1 - p], isems[1 - p])

                for k in range(GROUP):
                    pltpu.sync_copy(ones_v, deg_sp.at[idx_g.at[p, k]],
                                    add=True)
            return carry

        lax.fori_loop(0, n_groups // 2, pair, 0)
        plsc.subcore_barrier()
        pltpu.sync_copy(deg_sp.at[pl.ds(r0, rt)], stage_v)
        pltpu.sync_copy(stage_v, out_hbm.at[pl.ds(cid * n_acc + r0, rt)])

    return pl.kernel(
        body,
        out_type=jax.ShapeDtypeStruct((NC * n_acc,), jnp.float32),
        mesh=_sc_mesh(),
        scratch_types=[
            pltpu.VMEM((2, GROUP, CHUNK), jnp.int32),
            pltpu.VMEM((CHUNK,), jnp.float32),
            pltpu.VMEM((rt,), jnp.float32),
            pltpu.SemaphoreType.DMA,
            pltpu.SemaphoreType.DMA,
            pltpu.VMEM_SHARED((n_acc,), jnp.float32),
        ],
    )


def _aggregate_kernel(n_acc, c_chunks, d):
    rt = n_acc // NS

    row_chunks = []
    off = 0
    while off < rt:
        row_chunks.append((off, min(CHUNK_A, rt - off)))
        off += CHUNK_A

    def body(g_hbm, src_hbm, dst_hbm, zeros_hbm, out_hbm,
             src_v, dst_v, buf0_v, gsem0, acc_sp):
        cid = lax.axis_index("c")
        sid = lax.axis_index("s")
        w = cid * NS + sid
        r0 = sid * rt
        pltpu.sync_copy(zeros_hbm, buf0_v)
        for off, cnt in row_chunks:
            pltpu.sync_copy(buf0_v.at[pl.ds(0, cnt)],
                            acc_sp.at[pl.ds(r0 + off, cnt)])
        pltpu.sync_copy(src_hbm.at[w], src_v)
        pltpu.sync_copy(dst_hbm.at[w], dst_v)
        plsc.subcore_barrier()

        def step(j, carry):
            pltpu.async_copy(g_hbm.at[src_v.at[j]], buf0_v, gsem0).wait()
            pltpu.sync_copy(buf0_v, acc_sp.at[dst_v.at[j]], add=True)
            return carry

        lax.fori_loop(0, c_chunks, step, 0)
        plsc.subcore_barrier()
        for off, cnt in row_chunks:
            pltpu.sync_copy(acc_sp.at[pl.ds(r0 + off, cnt)],
                            buf0_v.at[pl.ds(0, cnt)])
            pltpu.sync_copy(buf0_v.at[pl.ds(0, cnt)],
                            out_hbm.at[cid, pl.ds(r0 + off, cnt)])

    return pl.kernel(
        body,
        out_type=jax.ShapeDtypeStruct((NC, n_acc, d), jnp.float32),
        mesh=_sc_mesh(),
        scratch_types=[
            pltpu.VMEM((c_chunks, CHUNK_A), jnp.int32),
            pltpu.VMEM((c_chunks, CHUNK_A), jnp.int32),
            pltpu.VMEM((CHUNK_A, d), jnp.float32),
            pltpu.SemaphoreType.DMA,
            pltpu.VMEM_SHARED((n_acc, d), jnp.float32),
        ],
    )


def _row_block(n):
    for rb in (1000, 500, 250, 125, 100, 50, 25, 10, 5, 2):
        if n % rb == 0:
            return rb
    return n


def _scale_matmul(feat, d0, d1, weight):
    n, d_in = feat.shape
    d_out = weight.shape[1]
    rb = _row_block(n)

    def body(f_ref, d0_ref, d1_ref, w_ref, o_ref):
        scale = lax.rsqrt(d0_ref[...] + d1_ref[...])
        o_ref[...] = jnp.dot(f_ref[...] * scale, w_ref[...],
                             preferred_element_type=jnp.float32,
                             precision=lax.Precision.HIGHEST)

    return pl.pallas_call(
        body,
        grid=(n // rb,),
        in_specs=[
            pl.BlockSpec((rb, d_in), lambda i: (i, 0)),
            pl.BlockSpec((rb, 1), lambda i: (i, 0)),
            pl.BlockSpec((rb, 1), lambda i: (i, 0)),
            pl.BlockSpec((d_in, d_out), lambda i: (0, 0)),
        ],
        out_specs=pl.BlockSpec((rb, d_out), lambda i: (i, 0)),
        out_shape=jax.ShapeDtypeStruct((n, d_out), jnp.float32),
    )(feat, d0, d1, weight)


def _finalize(p0, p1, d0, d1, bias2):
    n, d = p0.shape
    rb = _row_block(n)

    def body(p0_ref, p1_ref, d0_ref, d1_ref, b_ref, o_ref):
        scale = lax.rsqrt(d0_ref[...] + d1_ref[...])
        o_ref[...] = (p0_ref[...] + p1_ref[...]) * scale + b_ref[...]

    return pl.pallas_call(
        body,
        grid=(n // rb,),
        in_specs=[
            pl.BlockSpec((rb, d), lambda i: (i, 0)),
            pl.BlockSpec((rb, d), lambda i: (i, 0)),
            pl.BlockSpec((rb, 1), lambda i: (i, 0)),
            pl.BlockSpec((rb, 1), lambda i: (i, 0)),
            pl.BlockSpec((1, d), lambda i: (0, 0)),
        ],
        out_specs=pl.BlockSpec((rb, d), lambda i: (i, 0)),
        out_shape=jax.ShapeDtypeStruct((n, d), jnp.float32),
    )(p0, p1, d0, d1, bias2)


def kernel(feat, edge_index, weight, bias):
    n, d_in = feat.shape
    d_out = weight.shape[1]
    e = edge_index.shape[1]

    src = edge_index[0].astype(jnp.int32)
    dst = edge_index[1].astype(jnp.int32)

    c_deg = -(-(-(-e // (NW * CHUNK))) // (2 * GROUP)) * (2 * GROUP)
    dst3_deg = jnp.concatenate(
        [dst, jnp.full((c_deg * CHUNK * NW - e,), n, jnp.int32)]).reshape(
            NW, c_deg, CHUNK)

    c_agg = -(-e // (NW * CHUNK_A))
    pad_a = c_agg * CHUNK_A * NW - e
    src3 = jnp.concatenate([src, jnp.zeros((pad_a,), jnp.int32)]).reshape(
        NW, c_agg, CHUNK_A)
    dst3 = jnp.concatenate([dst, jnp.full((pad_a,), n, jnp.int32)]).reshape(
        NW, c_agg, CHUNK_A)

    n_acc = -(-(n + 1) // (NS * 8)) * (NS * 8)
    rt = n_acc // NS

    zeros1 = jnp.zeros((rt,), jnp.float32)
    ones1 = jnp.ones((CHUNK,), jnp.float32)
    zeros2 = jnp.zeros((CHUNK_A, d_out), jnp.float32)

    degp = _degree_kernel(n_acc, c_deg)(dst3_deg, zeros1, ones1)
    d0 = degp[:n].reshape(n, 1)
    d1 = degp[n_acc:n_acc + n].reshape(n, 1)

    g = _scale_matmul(feat, d0, d1, weight)

    partials = _aggregate_kernel(n_acc, c_agg, d_out)(g, src3, dst3, zeros2)

    return _finalize(partials[0, :n], partials[1, :n], d0, d1,
                     bias.reshape(1, d_out))

# --- scband reference (transcript-rebuilt; emitter-appended) ---
"""Pipeline reference for scband-graph-conv-19593640805096 (READ-ONLY COPY).

The authoritative reference and input builder live on the scoring server;
editing this copy changes nothing except your own understanding.
"""

import jax, jax.numpy as jnp
import numpy as np

N_NODES = 10000
N_EDGES = 320000
D_IN = 128
D_OUT = 128


def setup_inputs(seed: int = 0) -> dict:
    key = jax.random.key(seed)
    k1, k2, k3 = jax.random.split(key, 3)
    feat = jax.random.normal(k1, (N_NODES, D_IN), dtype=jnp.float32)
    edge_index = jax.random.randint(k2, (2, N_EDGES), 0, N_NODES, dtype=jnp.int64)
    # xavier_uniform for weight (in_feats, out_feats)
    limit = float(np.sqrt(6.0 / (D_IN + D_OUT)))
    weight = jax.random.uniform(k3, (D_IN, D_OUT), dtype=jnp.float32, minval=-limit, maxval=limit)
    bias = jnp.zeros((D_OUT,), dtype=jnp.float32)
    return {"feat": feat, "edge_index": edge_index, "weight": weight, "bias": bias}


def reference(feat, edge_index, weight, bias):
    N = feat.shape[0]
    src = edge_index[0]
    dst = edge_index[1]
    # in_degrees per destination node
    in_deg = jnp.zeros((N,), dtype=jnp.float32).at[dst].add(1.0)
    norm = 1.0 / jnp.sqrt(in_deg)
    norm = norm.reshape((N,) + (1,) * (feat.ndim - 1))
    h = feat * norm
    # in_feats == out_feats -> aggregate first, then matmul (else branch)
    msgs = jnp.take(h, src, axis=0)
    agg = jax.ops.segment_sum(msgs, dst, num_segments=N)
    rst = jnp.matmul(agg, weight)
    rst = rst * norm
    rst = rst + bias
    return rst

if __name__ == "__main__":
    import jax
    _d = setup_inputs()
    print(jax.jit(kernel)(*tuple(_d.values())))

</pallas_src>

<mosaic_0001>
#map = affine_map<(d0, d1) -> (0, 0, 0)>
#map1 = affine_map<(d0, d1) -> (0)>
module attributes {stable_mosaic.version = 14 : i64} {
  func.func @body(%arg0: i32, %arg1: i32, %arg2: memref<32x80x128xi32, #tpu.memory_space<hbm>>, %arg3: memref<632xf32, #tpu.memory_space<hbm>>, %arg4: memref<128xf32, #tpu.memory_space<hbm>>, %arg5: memref<20224xf32, #tpu.memory_space<hbm>>, %arg6: memref<2x8x128xi32, #tpu.memory_space<vmem>>, %arg7: memref<128xf32, #tpu.memory_space<vmem>>, %arg8: memref<632xf32, #tpu.memory_space<vmem>>, %arg9: memref<!tpu.dma_semaphore, #tpu.memory_space<semaphore_mem>>, %arg10: memref<!tpu.dma_semaphore, #tpu.memory_space<semaphore_mem>>, %arg11: memref<10112xf32, #tpu.memory_space<vmem_shared>>) attributes {dimension_semantics = [#tpu.dimension_semantics<core_parallel>, #tpu.dimension_semantics<subcore_parallel>], iteration_bounds = array<i64: 2, 16>, scalar_prefetch = 0 : i64, scratch_operands = 6 : i64, tpu.core_type = #tpu.core_type<sc_vector_subcore>, window_params = [{transform_indices = #map}, {transform_indices = #map1}, {transform_indices = #map1}, {transform_indices = #map1}]} {
    %mul3A = arith.constant 16 : i32
    %mul3A_0 = arith.muli %arg0, %mul3A : i32
    %add3A = arith.addi %mul3A_0, %arg1 : i32
    %mul3A_1 = arith.constant 632 : i32
    %mul3A_2 = arith.muli %arg1, %mul3A_1 : i32
    "tpu.region"() ({
      %run_scoped3A_12 = tpu.sem_alloc : memref<!tpu.dma_semaphore, #tpu.memory_space<semaphore_mem>>
      tpu.enqueue_dma source(%arg3 : memref<632xf32, #tpu.memory_space<hbm>>) target(%arg8 : memref<632xf32, #tpu.memory_space<vmem>>) target_semaphore(%run_scoped3A_12 : memref<!tpu.dma_semaphore, #tpu.memory_space<semaphore_mem>>)
      tpu.wait_dma2 semaphore(%run_scoped3A_12 : memref<!tpu.dma_semaphore, #tpu.memory_space<semaphore_mem>>) src(%arg3 : memref<632xf32, #tpu.memory_space<hbm>>) dst(%arg8 : memref<632xf32, #tpu.memory_space<vmem>>)
      tpu.yield
    }) : () -> ()
    "tpu.region"() ({
      %run_scoped3A_12 = tpu.sem_alloc : memref<!tpu.dma_semaphore, #tpu.memory_space<semaphore_mem>>
      %dma_start3A = tpu.memref_slice %arg11[%mul3A_2] : memref<10112xf32, #tpu.memory_space<vmem_shared>> -> memref<632xf32, #tpu.memory_space<vmem_shared>>
      %dma_start3A_13 = tpu.memref_slice %arg11[%mul3A_2] : memref<10112xf32, #tpu.memory_space<vmem_shared>> -> memref<632xf32, #tpu.memory_space<vmem_shared>>
      tpu.enqueue_dma source(%arg8 : memref<632xf32, #tpu.memory_space<vmem>>) target(%dma_start3A_13 : memref<632xf32, #tpu.memory_space<vmem_shared>>) target_semaphore(%run_scoped3A_12 : memref<!tpu.dma_semaphore, #tpu.memory_space<semaphore_mem>>)
      %dma_wait3A = tpu.memref_slice %arg11[%mul3A_2] : memref<10112xf32, #tpu.memory_space<vmem_shared>> -> memref<632xf32, #tpu.memory_space<vmem_shared>>
      %dma_wait3A_14 = tpu.memref_slice %arg11[%mul3A_2] : memref<10112xf32, #tpu.memory_space<vmem_shared>> -> memref<632xf32, #tpu.memory_space<vmem_shared>>
      tpu.wait_dma2 semaphore(%run_scoped3A_12 : memref<!tpu.dma_semaphore, #tpu.memory_space<semaphore_mem>>) src(%arg8 : memref<632xf32, #tpu.memory_space<vmem>>) dst(%dma_wait3A_14 : memref<632xf32, #tpu.memory_space<vmem_shared>>)
      tpu.yield
    }) : () -> ()
    "tpu.region"() ({
      %run_scoped3A_12 = tpu.sem_alloc : memref<!tpu.dma_semaphore, #tpu.memory_space<semaphore_mem>>
      tpu.enqueue_dma source(%arg4 : memref<128xf32, #tpu.memory_space<hbm>>) target(%arg7 : memref<128xf32, #tpu.memory_space<vmem>>) target_semaphore(%run_scoped3A_12 : memref<!tpu.dma_semaphore, #tpu.memory_space<semaphore_mem>>)
      tpu.wait_dma2 semaphore(%run_scoped3A_12 : memref<!tpu.dma_semaphore, #tpu.memory_space<semaphore_mem>>) src(%arg4 : memref<128xf32, #tpu.memory_space<hbm>>) dst(%arg7 : memref<128xf32, #tpu.memory_space<vmem>>)
      tpu.yield
    }) : () -> ()
    %run_scoped3A = arith.constant 0 : i32
    "tpu.region"() ({
      %run_scoped3A_12 = tpu.sem_alloc : memref<!tpu.dma_semaphore, #tpu.memory_space<semaphore_mem>>
      %dma_start3A = arith.constant 0 : i32
      %dma_start3A_13 = arith.constant 0 : i32
      %dma_start3A_14 = tpu.memref_slice %arg6[%run_scoped3A, %dma_start3A, %dma_start3A_13] : memref<2x8x128xi32, #tpu.memory_space<vmem>> -> memref<1x8x128xi32, #tpu.memory_space<vmem>>
      %dma_start3A_15 = tpu.memref_squeeze %dma_start3A_14 : memref<1x8x128xi32, #tpu.memory_space<vmem>> -> memref<8x128xi32, #tpu.memory_space<vmem>>
      %dma_start3A_16 = arith.constant 0 : i32
      %dma_start3A_17 = arith.constant 0 : i32
      %dma_start3A_18 = tpu.memref_slice %arg2[%add3A, %dma_start3A_16, %dma_start3A_17] : memref<32x80x128xi32, #tpu.memory_space<hbm>> -> memref<1x8x128xi32, #tpu.memory_space<hbm>>
      %dma_start3A_19 = tpu.memref_squeeze %dma_start3A_18 : memref<1x8x128xi32, #tpu.memory_space<hbm>> -> memref<8x128xi32, #tpu.memory_space<hbm>>
      %dma_start3A_20 = arith.constant 0 : i32
      %dma_start3A_21 = arith.constant 0 : i32
      %dma_start3A_22 = tpu.memref_slice %arg6[%run_scoped3A, %dma_start3A_20, %dma_start3A_21] : memref<2x8x128xi32, #tpu.memory_space<vmem>> -> memref<1x8x128xi32, #tpu.memory_space<vmem>>
      %dma_start3A_23 = tpu.memref_squeeze %dma_start3A_22 : memref<1x8x128xi32, #tpu.memory_space<vmem>> -> memref<8x128xi32, #tpu.memory_space<vmem>>
      %dma_start3A_24 = arith.constant 0 : i32
      %dma_start3A_25 = arith.constant 0 : i32
      %dma_start3A_26 = tpu.memref_slice %arg2[%add3A, %dma_start3A_24, %dma_start3A_25] : memref<32x80x128xi32, #tpu.memory_space<hbm>> -> memref<1x8x128xi32, #tpu.memory_space<hbm>>
      %dma_start3A_27 = tpu.memref_squeeze %dma_start3A_26 : memref<1x8x128xi32, #tpu.memory_space<hbm>> -> memref<8x128xi32, #tpu.memory_space<hbm>>
      tpu.enqueue_dma source(%dma_start3A_27 : memref<8x128xi32, #tpu.memory_space<hbm>>) target(%dma_start3A_23 : memref<8x128xi32, #tpu.memory_space<vmem>>) target_semaphore(%run_scoped3A_12 : memref<!tpu.dma_semaphore, #tpu.memory_space<semaphore_mem>>)
      %dma_wait3A = arith.constant 0 : i32
      %dma_wait3A_28 = arith.constant 0 : i32
      %dma_wait3A_29 = tpu.memref_slice %arg6[%run_scoped3A, %dma_wait3A, %dma_wait3A_28] : memref<2x8x128xi32, #tpu.memory_space<vmem>> -> memref<1x8x128xi32, #tpu.memory_space<vmem>>
      %dma_wait3A_30 = tpu.memref_squeeze %dma_wait3A_29 : memref<1x8x128xi32, #tpu.memory_space<vmem>> -> memref<8x128xi32, #tpu.memory_space<vmem>>
      %dma_wait3A_31 = arith.constant 0 : i32
      %dma_wait3A_32 = arith.constant 0 : i32
      %dma_wait3A_33 = tpu.memref_slice %arg2[%add3A, %dma_wait3A_31, %dma_wait3A_32] : memref<32x80x128xi32, #tpu.memory_space<hbm>> -> memref<1x8x128xi32, #tpu.memory_space<hbm>>
      %dma_wait3A_34 = tpu.memref_squeeze %dma_wait3A_33 : memref<1x8x128xi32, #tpu.memory_space<hbm>> -> memref<8x128xi32, #tpu.memory_space<hbm>>
      %dma_wait3A_35 = arith.constant 0 : i32
      %dma_wait3A_36 = arith.constant 0 : i32
      %dma_wait3A_37 = tpu.memref_slice %arg6[%run_scoped3A, %dma_wait3A_35, %dma_wait3A_36] : memref<2x8x128xi32, #tpu.memory_space<vmem>> -> memref<1x8x128xi32, #tpu.memory_space<vmem>>
      %dma_wait3A_38 = tpu.memref_squeeze %dma_wait3A_37 : memref<1x8x128xi32, #tpu.memory_space<vmem>> -> memref<8x128xi32, #tpu.memory_space<vmem>>
      %dma_wait3A_39 = arith.constant 0 : i32
      %dma_wait3A_40 = arith.constant 0 : i32
      %dma_wait3A_41 = tpu.memref_slice %arg2[%add3A, %dma_wait3A_39, %dma_wait3A_40] : memref<32x80x128xi32, #tpu.memory_space<hbm>> -> memref<1x8x128xi32, #tpu.memory_space<hbm>>
      %dma_wait3A_42 = tpu.memref_squeeze %dma_wait3A_41 : memref<1x8x128xi32, #tpu.memory_space<hbm>> -> memref<8x128xi32, #tpu.memory_space<hbm>>
      tpu.wait_dma2 semaphore(%run_scoped3A_12 : memref<!tpu.dma_semaphore, #tpu.memory_space<semaphore_mem>>) src(%dma_wait3A_42 : memref<8x128xi32, #tpu.memory_space<hbm>>) dst(%dma_wait3A_38 : memref<8x128xi32, #tpu.memory_space<vmem>>)
      tpu.yield
    }) : () -> ()
    %barrier3A = arith.constant 0 : index
    tpu.barrier barrier_id(%barrier3A)
    %scan3A = arith.constant 0 : i32
    %scan3A_3 = arith.constant 0 : i32
    %scan3A_4 = arith.constant 5 : i32
    %scan3A_5 = arith.addi %scan3A_3, %scan3A_4 : i32
    %scan3A_6 = arith.constant 1 : i32
    scf.for %scan3A_12 = %scan3A_3 to %scan3A_5 step %scan3A_6  : i32 {
      %mul3A_13 = arith.constant 2 : i32
      %mul3A_14 = arith.muli %scan3A_12, %mul3A_13 : i32
      %add3A_15 = arith.constant 0 : i32
      %add3A_16 = arith.addi %mul3A_14, %add3A_15 : i32
      %ge3A = arith.constant 1 : i32
      %ge3A_17 = arith.cmpi sge, %add3A_16, %ge3A : i32
      %convert_element_type3A = arith.extui %ge3A_17 : i1 to i32
      %cond3A = arith.constant 0 : i32
      %cond3A_18 = arith.cmpi ne, %convert_element_type3A, %cond3A : i32
      scf.if %cond3A_18 {
        %dma_wait3A = arith.constant 0 : i32
        %dma_wait3A_73 = arith.constant 0 : i32
        %dma_wait3A_74 = arith.constant 0 : i32
        %dma_wait3A_75 = tpu.memref_slice %arg6[%dma_wait3A, %dma_wait3A_73, %dma_wait3A_74] : memref<2x8x128xi32, #tpu.memory_space<vmem>> -> memref<1x8x128xi32, #tpu.memory_space<vmem>>
        %dma_wait3A_76 = tpu.memref_squeeze %dma_wait3A_75 : memref<1x8x128xi32, #tpu.memory_space<vmem>> -> memref<8x128xi32, #tpu.memory_space<vmem>>
        %dma_wait3A_77 = arith.constant 0 : i32
        %dma_wait3A_78 = arith.constant 0 : i32
        %dma_wait3A_79 = tpu.memref_slice %arg2[%add3A, %dma_wait3A_77, %dma_wait3A_78] : memref<32x80x128xi32, #tpu.memory_space<hbm>> -> memref<1x8x128xi32, #tpu.memory_space<hbm>>
        %dma_wait3A_80 = tpu.memref_squeeze %dma_wait3A_79 : memref<1x8x128xi32, #tpu.memory_space<hbm>> -> memref<8x128xi32, #tpu.memory_space<hbm>>
        %dma_wait3A_81 = arith.constant 0 : i32
        %dma_wait3A_82 = arith.constant 0 : i32
        %dma_wait3A_83 = tpu.memref_slice %arg6[%dma_wait3A, %dma_wait3A_81, %dma_wait3A_82] : memref<2x8x128xi32, #tpu.memory_space<vmem>> -> memref<1x8x128xi32, #tpu.memory_space<vmem>>
        %dma_wait3A_84 = tpu.memref_squeeze %dma_wait3A_83 : memref<1x8x128xi32, #tpu.memory_space<vmem>> -> memref<8x128xi32, #tpu.memory_space<vmem>>
        %dma_wait3A_85 = arith.constant 0 : i32
        %dma_wait3A_86 = arith.constant 0 : i32
        %dma_wait3A_87 = tpu.memref_slice %arg2[%add3A, %dma_wait3A_85, %dma_wait3A_86] : memref<32x80x128xi32, #tpu.memory_space<hbm>> -> memref<1x8x128xi32, #tpu.memory_space<hbm>>
        %dma_wait3A_88 = tpu.memref_squeeze %dma_wait3A_87 : memref<1x8x128xi32, #tpu.memory_space<hbm>> -> memref<8x128xi32, #tpu.memory_space<hbm>>
        tpu.wait_dma2 semaphore(%arg9 : memref<!tpu.dma_semaphore, #tpu.memory_space<semaphore_mem>>) src(%dma_wait3A_88 : memref<8x128xi32, #tpu.memory_space<hbm>>) dst(%dma_wait3A_84 : memref<8x128xi32, #tpu.memory_space<vmem>>)
      } else {
      }
      %add3A_19 = arith.constant 1 : i32
      %add3A_20 = arith.addi %add3A_16, %add3A_19 : i32
      %lt3A = arith.constant 10 : i32
      %lt3A_21 = arith.cmpi slt, %add3A_20, %lt3A : i32
      %convert_element_type3A_22 = arith.extui %lt3A_21 : i1 to i32
      %cond3A_23 = arith.constant 0 : i32
      %cond3A_24 = arith.cmpi ne, %convert_element_type3A_22, %cond3A_23 : i32
      scf.if %cond3A_24 {
        %add3A_73 = arith.constant 1 : i32
        %add3A_74 = arith.addi %add3A_16, %add3A_73 : i32
        %mul3A_75 = arith.constant 8 : i32
        %mul3A_76 = arith.muli %add3A_74, %mul3A_75 : i32
        %dma_start3A = arith.constant 1 : i32
        %dma_start3A_77 = arith.constant 0 : i32
        %dma_start3A_78 = arith.constant 0 : i32
        %dma_start3A_79 = tpu.memref_slice %arg6[%dma_start3A, %dma_start3A_77, %dma_start3A_78] : memref<2x8x128xi32, #tpu.memory_space<vmem>> -> memref<1x8x128xi32, #tpu.memory_space<vmem>>
        %dma_start3A_80 = tpu.memref_squeeze %dma_start3A_79 : memref<1x8x128xi32, #tpu.memory_space<vmem>> -> memref<8x128xi32, #tpu.memory_space<vmem>>
        %dma_start3A_81 = arith.constant 0 : i32
        %dma_start3A_82 = tpu.memref_slice %arg2[%add3A, %mul3A_76, %dma_start3A_81] : memref<32x80x128xi32, #tpu.memory_space<hbm>> -> memref<1x8x128xi32, #tpu.memory_space<hbm>>
        %dma_start3A_83 = tpu.memref_squeeze %dma_start3A_82 : memref<1x8x128xi32, #tpu.memory_space<hbm>> -> memref<8x128xi32, #tpu.memory_space<hbm>>
        %dma_start3A_84 = arith.constant 0 : i32
        %dma_start3A_85 = arith.constant 0 : i32
        %dma_start3A_86 = tpu.memref_slice %arg6[%dma_start3A, %dma_start3A_84, %dma_start3A_85] : memref<2x8x128xi32, #tpu.memory_space<vmem>> -> memref<1x8x128xi32, #tpu.memory_space<vmem>>
        %dma_start3A_87 = tpu.memref_squeeze %dma_start3A_86 : memref<1x8x128xi32, #tpu.memory_space<vmem>> -> memref<8x128xi32, #tpu.memory_space<vmem>>
        %dma_start3A_88 = arith.constant 0 : i32
        %dma_start3A_89 = tpu.memref_slice %arg2[%add3A, %mul3A_76, %dma_start3A_88] : memref<32x80x128xi32, #tpu.memory_space<hbm>> -> memref<1x8x128xi32, #tpu.memory_space<hbm>>
        %dma_start3A_90 = tpu.memref_squeeze %dma_start3A_89 : memref<1x8x128xi32, #tpu.memory_space<hbm>> -> memref<8x128xi32, #tpu.memory_space<hbm>>
        tpu.enqueue_dma source(%dma_start3A_90 : memref<8x128xi32, #tpu.memory_space<hbm>>) target(%dma_start3A_87 : memref<8x128xi32, #tpu.memory_space<vmem>>) target_semaphore(%arg10 : memref<!tpu.dma_semaphore, #tpu.memory_space<semaphore_mem>>)
      } else {
      }
      %run_scoped3A_25 = arith.constant 0 : i32
      %run_scoped3A_26 = arith.constant 0 : i32
      "tpu.region"() ({
        %run_scoped3A_73 = tpu.sem_alloc : memref<!tpu.dma_semaphore, #tpu.memory_space<semaphore_mem>>
        %dma_start3A = arith.constant 0 : i32
        %dma_start3A_74 = tpu.memref_slice %arg6[%run_scoped3A_25, %run_scoped3A_26, %dma_start3A] : memref<2x8x128xi32, #tpu.memory_space<vmem>> -> memref<1x1x128xi32, #tpu.memory_space<vmem>>
        %dma_start3A_75 = tpu.memref_squeeze %dma_start3A_74 : memref<1x1x128xi32, #tpu.memory_space<vmem>> -> memref<128xi32, #tpu.memory_space<vmem>>
        %dma_start3A_76 = arith.constant 0 : i32
        %dma_start3A_77 = tpu.memref_slice %arg11[%dma_start3A_76] : memref<10112xf32, #tpu.memory_space<vmem_shared>> -> memref<10112xf32, #tpu.memory_space<vmem_shared>>
        tpu.enqueue_indirect_dma source(%arg7 : memref<128xf32, #tpu.memory_space<vmem>>) target(%dma_start3A_77 : memref<10112xf32, #tpu.memory_space<vmem_shared>>) offsets(%dma_start3A_75 : memref<128xi32, #tpu.memory_space<vmem>>) semaphore(%run_scoped3A_73 : memref<!tpu.dma_semaphore, #tpu.memory_space<semaphore_mem>>) {add = true}
        %dma_wait3A = arith.constant 0 : i32
        %dma_wait3A_78 = tpu.memref_slice %arg6[%run_scoped3A_25, %run_scoped3A_26, %dma_wait3A] : memref<2x8x128xi32, #tpu.memory_space<vmem>> -> memref<1x1x128xi32, #tpu.memory_space<vmem>>
        %dma_wait3A_79 = tpu.memref_squeeze %dma_wait3A_78 : memref<1x1x128xi32, #tpu.memory_space<vmem>> -> memref<128xi32, #tpu.memory_space<vmem>>
        %dma_wait3A_80 = arith.constant 0 : i32
        %dma_wait3A_81 = tpu.memref_slice %arg11[%dma_wait3A_80] : memref<10112xf32, #tpu.memory_space<vmem_shared>> -> memref<10112xf32, #tpu.memory_space<vmem_shared>>
        tpu.wait_indirect_dma semaphore(%run_scoped3A_73 : memref<!tpu.dma_semaphore, #tpu.memory_space<semaphore_mem>>) src(%arg7 : memref<128xf32, #tpu.memory_space<vmem>>) dst(%dma_wait3A_81 : memref<10112xf32, #tpu.memory_space<vmem_shared>>)
        tpu.yield
      }) : () -> ()
      %run_scoped3A_27 = arith.constant 0 : i32
      %run_scoped3A_28 = arith.constant 1 : i32
      "tpu.region"() ({
        %run_scoped3A_73 = tpu.sem_alloc : memref<!tpu.dma_semaphore, #tpu.memory_space<semaphore_mem>>
        %dma_start3A = arith.constant 0 : i32
        %dma_start3A_74 = tpu.memref_slice %arg6[%run_scoped3A_27, %run_scoped3A_28, %dma_start3A] : memref<2x8x128xi32, #tpu.memory_space<vmem>> -> memref<1x1x128xi32, #tpu.memory_space<vmem>>
        %dma_start3A_75 = tpu.memref_squeeze %dma_start3A_74 : memref<1x1x128xi32, #tpu.memory_space<vmem>> -> memref<128xi32, #tpu.memory_space<vmem>>
        %dma_start3A_76 = arith.constant 0 : i32
        %dma_start3A_77 = tpu.memref_slice %arg11[%dma_start3A_76] : memref<10112xf32, #tpu.memory_space<vmem_shared>> -> memref<10112xf32, #tpu.memory_space<vmem_shared>>
        tpu.enqueue_indirect_dma source(%arg7 : memref<128xf32, #tpu.memory_space<vmem>>) target(%dma_start3A_77 : memref<10112xf32, #tpu.memory_space<vmem_shared>>) offsets(%dma_start3A_75 : memref<128xi32, #tpu.memory_space<vmem>>) semaphore(%run_scoped3A_73 : memref<!tpu.dma_semaphore, #tpu.memory_space<semaphore_mem>>) {add = true}
        %dma_wait3A = arith.constant 0 : i32
        %dma_wait3A_78 = tpu.memref_slice %arg6[%run_scoped3A_27, %run_scoped3A_28, %dma_wait3A] : memref<2x8x128xi32, #tpu.memory_space<vmem>> -> memref<1x1x128xi32, #tpu.memory_space<vmem>>
        %dma_wait3A_79 = tpu.memref_squeeze %dma_wait3A_78 : memref<1x1x128xi32, #tpu.memory_space<vmem>> -> memref<128xi32, #tpu.memory_space<vmem>>
        %dma_wait3A_80 = arith.constant 0 : i32
        %dma_wait3A_81 = tpu.memref_slice %arg11[%dma_wait3A_80] : memref<10112xf32, #tpu.memory_space<vmem_shared>> -> memref<10112xf32, #tpu.memory_space<vmem_shared>>
        tpu.wait_indirect_dma semaphore(%run_scoped3A_73 : memref<!tpu.dma_semaphore, #tpu.memory_space<semaphore_mem>>) src(%arg7 : memref<128xf32, #tpu.memory_space<vmem>>) dst(%dma_wait3A_81 : memref<10112xf32, #tpu.memory_space<vmem_shared>>)
        tpu.yield
      }) : () -> ()
      %run_scoped3A_29 = arith.constant 0 : i32
      %run_scoped3A_30 = arith.constant 2 : i32
      "tpu.region"() ({
        %run_scoped3A_73 = tpu.sem_alloc : memref<!tpu.dma_semaphore, #tpu.memory_space<semaphore_mem>>
        %dma_start3A = arith.constant 0 : i32
        %dma_start3A_74 = tpu.memref_slice %arg6[%run_scoped3A_29, %run_scoped3A_30, %dma_start3A] : memref<2x8x128xi32, #tpu.memory_space<vmem>> -> memref<1x1x128xi32, #tpu.memory_space<vmem>>
        %dma_start3A_75 = tpu.memref_squeeze %dma_start3A_74 : memref<1x1x128xi32, #tpu.memory_space<vmem>> -> memref<128xi32, #tpu.memory_space<vmem>>
        %dma_start3A_76 = arith.constant 0 : i32
        %dma_start3A_77 = tpu.memref_slice %arg11[%dma_start3A_76] : memref<10112xf32, #tpu.memory_space<vmem_shared>> -> memref<10112xf32, #tpu.memory_space<vmem_shared>>
        tpu.enqueue_indirect_dma source(%arg7 : memref<128xf32, #tpu.memory_space<vmem>>) target(%dma_start3A_77 : memref<10112xf32, #tpu.memory_space<vmem_shared>>) offsets(%dma_start3A_75 : memref<128xi32, #tpu.memory_space<vmem>>) semaphore(%run_scoped3A_73 : memref<!tpu.dma_semaphore, #tpu.memory_space<semaphore_mem>>) {add = true}
        %dma_wait3A = arith.constant 0 : i32
        %dma_wait3A_78 = tpu.memref_slice %arg6[%run_scoped3A_29, %run_scoped3A_30, %dma_wait3A] : memref<2x8x128xi32, #tpu.memory_space<vmem>> -> memref<1x1x128xi32, #tpu.memory_space<vmem>>
        %dma_wait3A_79 = tpu.memref_squeeze %dma_wait3A_78 : memref<1x1x128xi32, #tpu.memory_space<vmem>> -> memref<128xi32, #tpu.memory_space<vmem>>
        %dma_wait3A_80 = arith.constant 0 : i32
        %dma_wait3A_81 = tpu.memref_slice %arg11[%dma_wait3A_80] : memref<10112xf32, #tpu.memory_space<vmem_shared>> -> memref<10112xf32, #tpu.memory_space<vmem_shared>>
        tpu.wait_indirect_dma semaphore(%run_scoped3A_73 : memref<!tpu.dma_semaphore, #tpu.memory_space<semaphore_mem>>) src(%arg7 : memref<128xf32, #tpu.memory_space<vmem>>) dst(%dma_wait3A_81 : memref<10112xf32, #tpu.memory_space<vmem_shared>>)
        tpu.yield
      }) : () -> ()
      %run_scoped3A_31 = arith.constant 0 : i32
      %run_scoped3A_32 = arith.constant 3 : i32
      "tpu.region"() ({
        %run_scoped3A_73 = tpu.sem_alloc : memref<!tpu.dma_semaphore, #tpu.memory_space<semaphore_mem>>
        %dma_start3A = arith.constant 0 : i32
        %dma_start3A_74 = tpu.memref_slice %arg6[%run_scoped3A_31, %run_scoped3A_32, %dma_start3A] : memref<2x8x128xi32, #tpu.memory_space<vmem>> -> memref<1x1x128xi32, #tpu.memory_space<vmem>>
        %dma_start3A_75 = tpu.memref_squeeze %dma_start3A_74 : memref<1x1x128xi32, #tpu.memory_space<vmem>> -> memref<128xi32, #tpu.memory_space<vmem>>
        %dma_start3A_76 = arith.constant 0 : i32
        %dma_start3A_77 = tpu.memref_slice %arg11[%dma_start3A_76] : memref<10112xf32, #tpu.memory_space<vmem_shared>> -> memref<10112xf32, #tpu.memory_space<vmem_shared>>
        tpu.enqueue_indirect_dma source(%arg7 : memref<128xf32, #tpu.memory_space<vmem>>) target(%dma_start3A_77 : memref<10112xf32, #tpu.memory_space<vmem_shared>>) offsets(%dma_start3A_75 : memref<128xi32, #tpu.memory_space<vmem>>) semaphore(%run_scoped3A_73 : memref<!tpu.dma_semaphore, #tpu.memory_space<semaphore_mem>>) {add = true}
        %dma_wait3A = arith.constant 0 : i32
        %dma_wait3A_78 = tpu.memref_slice %arg6[%run_scoped3A_31, %run_scoped3A_32, %dma_wait3A] : memref<2x8x128xi32, #tpu.memory_space<vmem>> -> memref<1x1x128xi32, #tpu.memory_space<vmem>>
        %dma_wait3A_79 = tpu.memref_squeeze %dma_wait3A_78 : memref<1x1x128xi32, #tpu.memory_space<vmem>> -> memref<128xi32, #tpu.memory_space<vmem>>
        %dma_wait3A_80 = arith.constant 0 : i32
        %dma_wait3A_81 = tpu.memref_slice %arg11[%dma_wait3A_80] : memref<10112xf32, #tpu.memory_space<vmem_shared>> -> memref<10112xf32, #tpu.memory_space<vmem_shared>>
        tpu.wait_indirect_dma semaphore(%run_scoped3A_73 : memref<!tpu.dma_semaphore, #tpu.memory_space<semaphore_mem>>) src(%arg7 : memref<128xf32, #tpu.memory_space<vmem>>) dst(%dma_wait3A_81 : memref<10112xf32, #tpu.memory_space<vmem_shared>>)
        tpu.yield
      }) : () -> ()
      %run_scoped3A_33 = arith.constant 0 : i32
      %run_scoped3A_34 = arith.constant 4 : i32
      "tpu.region"() ({
        %run_scoped3A_73 = tpu.sem_alloc : memref<!tpu.dma_semaphore, #tpu.memory_space<semaphore_mem>>
        %dma_start3A = arith.constant 0 : i32
        %dma_start3A_74 = tpu.memref_slice %arg6[%run_scoped3A_33, %run_scoped3A_34, %dma_start3A] : memref<2x8x128xi32, #tpu.memory_space<vmem>> -> memref<1x1x128xi32, #tpu.memory_space<vmem>>
        %dma_start3A_75 = tpu.memref_squeeze %dma_start3A_74 : memref<1x1x128xi32, #tpu.memory_space<vmem>> -> memref<128xi32, #tpu.memory_space<vmem>>
        %dma_start3A_76 = arith.constant 0 : i32
        %dma_start3A_77 = tpu.memref_slice %arg11[%dma_start3A_76] : memref<10112xf32, #tpu.memory_space<vmem_shared>> -> memref<10112xf32, #tpu.memory_space<vmem_shared>>
        tpu.enqueue_indirect_dma source(%arg7 : memref<128xf32, #tpu.memory_space<vmem>>) target(%dma_start3A_77 : memref<10112xf32, #tpu.memory_space<vmem_shared>>) offsets(%dma_start3A_75 : memref<128xi32, #tpu.memory_space<vmem>>) semaphore(%run_scoped3A_73 : memref<!tpu.dma_semaphore, #tpu.memory_space<semaphore_mem>>) {add = true}
        %dma_wait3A = arith.constant 0 : i32
        %dma_wait3A_78 = tpu.memref_slice %arg6[%run_scoped3A_33, %run_scoped3A_34, %dma_wait3A] : memref<2x8x128xi32, #tpu.memory_space<vmem>> -> memref<1x1x128xi32, #tpu.memory_space<vmem>>
        %dma_wait3A_79 = tpu.memref_squeeze %dma_wait3A_78 : memref<1x1x128xi32, #tpu.memory_space<vmem>> -> memref<128xi32, #tpu.memory_space<vmem>>
        %dma_wait3A_80 = arith.constant 0 : i32
        %dma_wait3A_81 = tpu.memref_slice %arg11[%dma_wait3A_80] : memref<10112xf32, #tpu.memory_space<vmem_shared>> -> memref<10112xf32, #tpu.memory_space<vmem_shared>>
        tpu.wait_indirect_dma semaphore(%run_scoped3A_73 : memref<!tpu.dma_semaphore, #tpu.memory_space<semaphore_mem>>) src(%arg7 : memref<128xf32, #tpu.memory_space<vmem>>) dst(%dma_wait3A_81 : memref<10112xf32, #tpu.memory_space<vmem_shared>>)
        tpu.yield
      }) : () -> ()
      %run_scoped3A_35 = arith.constant 0 : i32
      %run_scoped3A_36 = arith.constant 5 : i32
      "tpu.region"() ({
        %run_scoped3A_73 = tpu.sem_alloc : memref<!tpu.dma_semaphore, #tpu.memory_space<semaphore_mem>>
        %dma_start3A = arith.constant 0 : i32
        %dma_start3A_74 = tpu.memref_slice %arg6[%run_scoped3A_35, %run_scoped3A_36, %dma_start3A] : memref<2x8x128xi32, #tpu.memory_space<vmem>> -> memref<1x1x128xi32, #tpu.memory_space<vmem>>
        %dma_start3A_75 = tpu.memref_squeeze %dma_start3A_74 : memref<1x1x128xi32, #tpu.memory_space<vmem>> -> memref<128xi32, #tpu.memory_space<vmem>>
        %dma_start3A_76 = arith.constant 0 : i32
        %dma_start3A_77 = tpu.memref_slice %arg11[%dma_start3A_76] : memref<10112xf32, #tpu.memory_space<vmem_shared>> -> memref<10112xf32, #tpu.memory_space<vmem_shared>>
        tpu.enqueue_indirect_dma source(%arg7 : memref<128xf32, #tpu.memory_space<vmem>>) target(%dma_start3A_77 : memref<10112xf32, #tpu.memory_space<vmem_shared>>) offsets(%dma_start3A_75 : memref<128xi32, #tpu.memory_space<vmem>>) semaphore(%run_scoped3A_73 : memref<!tpu.dma_semaphore, #tpu.memory_space<semaphore_mem>>) {add = true}
        %dma_wait3A = arith.constant 0 : i32
        %dma_wait3A_78 = tpu.memref_slice %arg6[%run_scoped3A_35, %run_scoped3A_36, %dma_wait3A] : memref<2x8x128xi32, #tpu.memory_space<vmem>> -> memref<1x1x128xi32, #tpu.memory_space<vmem>>
        %dma_wait3A_79 = tpu.memref_squeeze %dma_wait3A_78 : memref<1x1x128xi32, #tpu.memory_space<vmem>> -> memref<128xi32, #tpu.memory_space<vmem>>
        %dma_wait3A_80 = arith.constant 0 : i32
        %dma_wait3A_81 = tpu.memref_slice %arg11[%dma_wait3A_80] : memref<10112xf32, #tpu.memory_space<vmem_shared>> -> memref<10112xf32, #tpu.memory_space<vmem_shared>>
        tpu.wait_indirect_dma semaphore(%run_scoped3A_73 : memref<!tpu.dma_semaphore, #tpu.memory_space<semaphore_mem>>) src(%arg7 : memref<128xf32, #tpu.memory_space<vmem>>) dst(%dma_wait3A_81 : memref<10112xf32, #tpu.memory_space<vmem_shared>>)
        tpu.yield
      }) : () -> ()
      %run_scoped3A_37 = arith.constant 0 : i32
      %run_scoped3A_38 = arith.constant 6 : i32
      "tpu.region"() ({
        %run_scoped3A_73 = tpu.sem_alloc : memref<!tpu.dma_semaphore, #tpu.memory_space<semaphore_mem>>
        %dma_start3A = arith.constant 0 : i32
        %dma_start3A_74 = tpu.memref_slice %arg6[%run_scoped3A_37, %run_scoped3A_38, %dma_start3A] : memref<2x8x128xi32, #tpu.memory_space<vmem>> -> memref<1x1x128xi32, #tpu.memory_space<vmem>>
        %dma_start3A_75 = tpu.memref_squeeze %dma_start3A_74 : memref<1x1x128xi32, #tpu.memory_space<vmem>> -> memref<128xi32, #tpu.memory_space<vmem>>
        %dma_start3A_76 = arith.constant 0 : i32
        %dma_start3A_77 = tpu.memref_slice %arg11[%dma_start3A_76] : memref<10112xf32, #tpu.memory_space<vmem_shared>> -> memref<10112xf32, #tpu.memory_space<vmem_shared>>
        tpu.enqueue_indirect_dma source(%arg7 : memref<128xf32, #tpu.memory_space<vmem>>) target(%dma_start3A_77 : memref<10112xf32, #tpu.memory_space<vmem_shared>>) offsets(%dma_start3A_75 : memref<128xi32, #tpu.memory_space<vmem>>) semaphore(%run_scoped3A_73 : memref<!tpu.dma_semaphore, #tpu.memory_space<semaphore_mem>>) {add = true}
        %dma_wait3A = arith.constant 0 : i32
        %dma_wait3A_78 = tpu.memref_slice %arg6[%run_scoped3A_37, %run_scoped3A_38, %dma_wait3A] : memref<2x8x128xi32, #tpu.memory_space<vmem>> -> memref<1x1x128xi32, #tpu.memory_space<vmem>>
        %dma_wait3A_79 = tpu.memref_squeeze %dma_wait3A_78 : memref<1x1x128xi32, #tpu.memory_space<vmem>> -> memref<128xi32, #tpu.memory_space<vmem>>
        %dma_wait3A_80 = arith.constant 0 : i32
        %dma_wait3A_81 = tpu.memref_slice %arg11[%dma_wait3A_80] : memref<10112xf32, #tpu.memory_space<vmem_shared>> -> memref<10112xf32, #tpu.memory_space<vmem_shared>>
        tpu.wait_indirect_dma semaphore(%run_scoped3A_73 : memref<!tpu.dma_semaphore, #tpu.memory_space<semaphore_mem>>) src(%arg7 : memref<128xf32, #tpu.memory_space<vmem>>) dst(%dma_wait3A_81 : memref<10112xf32, #tpu.memory_space<vmem_shared>>)
        tpu.yield
      }) : () -> ()
      %run_scoped3A_39 = arith.constant 0 : i32
      %run_scoped3A_40 = arith.constant 7 : i32
      "tpu.region"() ({
        %run_scoped3A_73 = tpu.sem_alloc : memref<!tpu.dma_semaphore, #tpu.memory_space<semaphore_mem>>
        %dma_start3A = arith.constant 0 : i32
        %dma_start3A_74 = tpu.memref_slice %arg6[%run_scoped3A_39, %run_scoped3A_40, %dma_start3A] : memref<2x8x128xi32, #tpu.memory_space<vmem>> -> memref<1x1x128xi32, #tpu.memory_space<vmem>>
        %dma_start3A_75 = tpu.memref_squeeze %dma_start3A_74 : memref<1x1x128xi32, #tpu.memory_space<vmem>> -> memref<128xi32, #tpu.memory_space<vmem>>
        %dma_start3A_76 = arith.constant 0 : i32
        %dma_start3A_77 = tpu.memref_slice %arg11[%dma_start3A_76] : memref<10112xf32, #tpu.memory_space<vmem_shared>> -> memref<10112xf32, #tpu.memory_space<vmem_shared>>
        tpu.enqueue_indirect_dma source(%arg7 : memref<128xf32, #tpu.memory_space<vmem>>) target(%dma_start3A_77 : memref<10112xf32, #tpu.memory_space<vmem_shared>>) offsets(%dma_start3A_75 : memref<128xi32, #tpu.memory_space<vmem>>) semaphore(%run_scoped3A_73 : memref<!tpu.dma_semaphore, #tpu.memory_space<semaphore_mem>>) {add = true}
        %dma_wait3A = arith.constant 0 : i32
        %dma_wait3A_78 = tpu.memref_slice %arg6[%run_scoped3A_39, %run_scoped3A_40, %dma_wait3A] : memref<2x8x128xi32, #tpu.memory_space<vmem>> -> memref<1x1x128xi32, #tpu.memory_space<vmem>>
        %dma_wait3A_79 = tpu.memref_squeeze %dma_wait3A_78 : memref<1x1x128xi32, #tpu.memory_space<vmem>> -> memref<128xi32, #tpu.memory_space<vmem>>
        %dma_wait3A_80 = arith.constant 0 : i32
        %dma_wait3A_81 = tpu.memref_slice %arg11[%dma_wait3A_80] : memref<10112xf32, #tpu.memory_space<vmem_shared>> -> memref<10112xf32, #tpu.memory_space<vmem_shared>>
        tpu.wait_indirect_dma semaphore(%run_scoped3A_73 : memref<!tpu.dma_semaphore, #tpu.memory_space<semaphore_mem>>) src(%arg7 : memref<128xf32, #tpu.memory_space<vmem>>) dst(%dma_wait3A_81 : memref<10112xf32, #tpu.memory_space<vmem_shared>>)
        tpu.yield
      }) : () -> ()
      %mul3A_41 = arith.constant 2 : i32
      %mul3A_42 = arith.muli %scan3A_12, %mul3A_41 : i32
      %add3A_43 = arith.constant 1 : i32
      %add3A_44 = arith.addi %mul3A_42, %add3A_43 : i32
      %ge3A_45 = arith.constant 1 : i32
      %ge3A_46 = arith.cmpi sge, %add3A_44, %ge3A_45 : i32
      %convert_element_type3A_47 = arith.extui %ge3A_46 : i1 to i32
      %cond3A_48 = arith.constant 0 : i32
      %cond3A_49 = arith.cmpi ne, %convert_element_type3A_47, %cond3A_48 : i32
      scf.if %cond3A_49 {
        %dma_wait3A = arith.constant 1 : i32
        %dma_wait3A_73 = arith.constant 0 : i32
        %dma_wait3A_74 = arith.constant 0 : i32
        %dma_wait3A_75 = tpu.memref_slice %arg6[%dma_wait3A, %dma_wait3A_73, %dma_wait3A_74] : memref<2x8x128xi32, #tpu.memory_space<vmem>> -> memref<1x8x128xi32, #tpu.memory_space<vmem>>
        %dma_wait3A_76 = tpu.memref_squeeze %dma_wait3A_75 : memref<1x8x128xi32, #tpu.memory_space<vmem>> -> memref<8x128xi32, #tpu.memory_space<vmem>>
        %dma_wait3A_77 = arith.constant 0 : i32
        %dma_wait3A_78 = arith.constant 0 : i32
        %dma_wait3A_79 = tpu.memref_slice %arg2[%add3A, %dma_wait3A_77, %dma_wait3A_78] : memref<32x80x128xi32, #tpu.memory_space<hbm>> -> memref<1x8x128xi32, #tpu.memory_space<hbm>>
        %dma_wait3A_80 = tpu.memref_squeeze %dma_wait3A_79 : memref<1x8x128xi32, #tpu.memory_space<hbm>> -> memref<8x128xi32, #tpu.memory_space<hbm>>
        %dma_wait3A_81 = arith.constant 0 : i32
        %dma_wait3A_82 = arith.constant 0 : i32
        %dma_wait3A_83 = tpu.memref_slice %arg6[%dma_wait3A, %dma_wait3A_81, %dma_wait3A_82] : memref<2x8x128xi32, #tpu.memory_space<vmem>> -> memref<1x8x128xi32, #tpu.memory_space<vmem>>
        %dma_wait3A_84 = tpu.memref_squeeze %dma_wait3A_83 : memref<1x8x128xi32, #tpu.memory_space<vmem>> -> memref<8x128xi32, #tpu.memory_space<vmem>>
        %dma_wait3A_85 = arith.constant 0 : i32
        %dma_wait3A_86 = arith.constant 0 : i32
        %dma_wait3A_87 = tpu.memref_slice %arg2[%add3A, %dma_wait3A_85, %dma_wait3A_86] : memref<32x80x128xi32, #tpu.memory_space<hbm>> -> memref<1x8x128xi32, #tpu.memory_space<hbm>>
        %dma_wait3A_88 = tpu.memref_squeeze %dma_wait3A_87 : memref<1x8x128xi32, #tpu.memory_space<hbm>> -> memref<8x128xi32, #tpu.memory_space<hbm>>
        tpu.wait_dma2 semaphore(%arg10 : memref<!tpu.dma_semaphore, #tpu.memory_space<semaphore_mem>>) src(%dma_wait3A_88 : memref<8x128xi32, #tpu.memory_space<hbm>>) dst(%dma_wait3A_84 : memref<8x128xi32, #tpu.memory_space<vmem>>)
      } else {
      }
      %add3A_50 = arith.constant 1 : i32
      %add3A_51 = arith.addi %add3A_44, %add3A_50 : i32
      %lt3A_52 = arith.constant 10 : i32
      %lt3A_53 = arith.cmpi slt, %add3A_51, %lt3A_52 : i32
      %convert_element_type3A_54 = arith.extui %lt3A_53 : i1 to i32
      %cond3A_55 = arith.constant 0 : i32
      %cond3A_56 = arith.cmpi ne, %convert_element_type3A_54, %cond3A_55 : i32
      scf.if %cond3A_56 {
        %add3A_73 = arith.constant 1 : i32
        %add3A_74 = arith.addi %add3A_44, %add3A_73 : i32
        %mul3A_75 = arith.constant 8 : i32
        %mul3A_76 = arith.muli %add3A_74, %mul3A_75 : i32
        %dma_start3A = arith.constant 0 : i32
        %dma_start3A_77 = arith.constant 0 : i32
        %dma_start3A_78 = arith.constant 0 : i32
        %dma_start3A_79 = tpu.memref_slice %arg6[%dma_start3A, %dma_start3A_77, %dma_start3A_78] : memref<2x8x128xi32, #tpu.memory_space<vmem>> -> memref<1x8x128xi32, #tpu.memory_space<vmem>>
        %dma_start3A_80 = tpu.memref_squeeze %dma_start3A_79 : memref<1x8x128xi32, #tpu.memory_space<vmem>> -> memref<8x128xi32, #tpu.memory_space<vmem>>
        %dma_start3A_81 = arith.constant 0 : i32
        %dma_start3A_82 = tpu.memref_slice %arg2[%add3A, %mul3A_76, %dma_start3A_81] : memref<32x80x128xi32, #tpu.memory_space<hbm>> -> memref<1x8x128xi32, #tpu.memory_space<hbm>>
        %dma_start3A_83 = tpu.memref_squeeze %dma_start3A_82 : memref<1x8x128xi32, #tpu.memory_space<hbm>> -> memref<8x128xi32, #tpu.memory_space<hbm>>
        %dma_start3A_84 = arith.constant 0 : i32
        %dma_start3A_85 = arith.constant 0 : i32
        %dma_start3A_86 = tpu.memref_slice %arg6[%dma_start3A, %dma_start3A_84, %dma_start3A_85] : memref<2x8x128xi32, #tpu.memory_space<vmem>> -> memref<1x8x128xi32, #tpu.memory_space<vmem>>
        %dma_start3A_87 = tpu.memref_squeeze %dma_start3A_86 : memref<1x8x128xi32, #tpu.memory_space<vmem>> -> memref<8x128xi32, #tpu.memory_space<vmem>>
        %dma_start3A_88 = arith.constant 0 : i32
        %dma_start3A_89 = tpu.memref_slice %arg2[%add3A, %mul3A_76, %dma_start3A_88] : memref<32x80x128xi32, #tpu.memory_space<hbm>> -> memref<1x8x128xi32, #tpu.memory_space<hbm>>
        %dma_start3A_90 = tpu.memref_squeeze %dma_start3A_89 : memref<1x8x128xi32, #tpu.memory_space<hbm>> -> memref<8x128xi32, #tpu.memory_space<hbm>>
        tpu.enqueue_dma source(%dma_start3A_90 : memref<8x128xi32, #tpu.memory_space<hbm>>) target(%dma_start3A_87 : memref<8x128xi32, #tpu.memory_space<vmem>>) target_semaphore(%arg9 : memref<!tpu.dma_semaphore, #tpu.memory_space<semaphore_mem>>)
      } else {
      }
      %run_scoped3A_57 = arith.constant 1 : i32
      %run_scoped3A_58 = arith.constant 0 : i32
      "tpu.region"() ({
        %run_scoped3A_73 = tpu.sem_alloc : memref<!tpu.dma_semaphore, #tpu.memory_space<semaphore_mem>>
        %dma_start3A = arith.constant 0 : i32
        %dma_start3A_74 = tpu.memref_slice %arg6[%run_scoped3A_57, %run_scoped3A_58, %dma_start3A] : memref<2x8x128xi32, #tpu.memory_space<vmem>> -> memref<1x1x128xi32, #tpu.memory_space<vmem>>
        %dma_start3A_75 = tpu.memref_squeeze %dma_start3A_74 : memref<1x1x128xi32, #tpu.memory_space<vmem>> -> memref<128xi32, #tpu.memory_space<vmem>>
        %dma_start3A_76 = arith.constant 0 : i32
        %dma_start3A_77 = tpu.memref_slice %arg11[%dma_start3A_76] : memref<10112xf32, #tpu.memory_space<vmem_shared>> -> memref<10112xf32, #tpu.memory_space<vmem_shared>>
        tpu.enqueue_indirect_dma source(%arg7 : memref<128xf32, #tpu.memory_space<vmem>>) target(%dma_start3A_77 : memref<10112xf32, #tpu.memory_space<vmem_shared>>) offsets(%dma_start3A_75 : memref<128xi32, #tpu.memory_space<vmem>>) semaphore(%run_scoped3A_73 : memref<!tpu.dma_semaphore, #tpu.memory_space<semaphore_mem>>) {add = true}
        %dma_wait3A = arith.constant 0 : i32
        %dma_wait3A_78 = tpu.memref_slice %arg6[%run_scoped3A_57, %run_scoped3A_58, %dma_wait3A] : memref<2x8x128xi32, #tpu.memory_space<vmem>> -> memref<1x1x128xi32, #tpu.memory_space<vmem>>
        %dma_wait3A_79 = tpu.memref_squeeze %dma_wait3A_78 : memref<1x1x128xi32, #tpu.memory_space<vmem>> -> memref<128xi32, #tpu.memory_space<vmem>>
        %dma_wait3A_80 = arith.constant 0 : i32
        %dma_wait3A_81 = tpu.memref_slice %arg11[%dma_wait3A_80] : memref<10112xf32, #tpu.memory_space<vmem_shared>> -> memref<10112xf32, #tpu.memory_space<vmem_shared>>
        tpu.wait_indirect_dma semaphore(%run_scoped3A_73 : memref<!tpu.dma_semaphore, #tpu.memory_space<semaphore_mem>>) src(%arg7 : memref<128xf32, #tpu.memory_space<vmem>>) dst(%dma_wait3A_81 : memref<10112xf32, #tpu.memory_space<vmem_shared>>)
        tpu.yield
      }) : () -> ()
      %run_scoped3A_59 = arith.constant 1 : i32
      %run_scoped3A_60 = arith.constant 1 : i32
      "tpu.region"() ({
        %run_scoped3A_73 = tpu.sem_alloc : memref<!tpu.dma_semaphore, #tpu.memory_space<semaphore_mem>>
        %dma_start3A = arith.constant 0 : i32
        %dma_start3A_74 = tpu.memref_slice %arg6[%run_scoped3A_59, %run_scoped3A_60, %dma_start3A] : memref<2x8x128xi32, #tpu.memory_space<vmem>> -> memref<1x1x128xi32, #tpu.memory_space<vmem>>
        %dma_start3A_75 = tpu.memref_squeeze %dma_start3A_74 : memref<1x1x128xi32, #tpu.memory_space<vmem>> -> memref<128xi32, #tpu.memory_space<vmem>>
        %dma_start3A_76 = arith.constant 0 : i32
        %dma_start3A_77 = tpu.memref_slice %arg11[%dma_start3A_76] : memref<10112xf32, #tpu.memory_space<vmem_shared>> -> memref<10112xf32, #tpu.memory_space<vmem_shared>>
        tpu.enqueue_indirect_dma source(%arg7 : memref<128xf32, #tpu.memory_space<vmem>>) target(%dma_start3A_77 : memref<10112xf32, #tpu.memory_space<vmem_shared>>) offsets(%dma_start3A_75 : memref<128xi32, #tpu.memory_space<vmem>>) semaphore(%run_scoped3A_73 : memref<!tpu.dma_semaphore, #tpu.memory_space<semaphore_mem>>) {add = true}
        %dma_wait3A = arith.constant 0 : i32
        %dma_wait3A_78 = tpu.memref_slice %arg6[%run_scoped3A_59, %run_scoped3A_60, %dma_wait3A] : memref<2x8x128xi32, #tpu.memory_space<vmem>> -> memref<1x1x128xi32, #tpu.memory_space<vmem>>
        %dma_wait3A_79 = tpu.memref_squeeze %dma_wait3A_78 : memref<1x1x128xi32, #tpu.memory_space<vmem>> -> memref<128xi32, #tpu.memory_space<vmem>>
        %dma_wait3A_80 = arith.constant 0 : i32
        %dma_wait3A_81 = tpu.memref_slice %arg11[%dma_wait3A_80] : memref<10112xf32, #tpu.memory_space<vmem_shared>> -> memref<10112xf32, #tpu.memory_space<vmem_shared>>
        tpu.wait_indirect_dma semaphore(%run_scoped3A_73 : memref<!tpu.dma_semaphore, #tpu.memory_space<semaphore_mem>>) src(%arg7 : memref<128xf32, #tpu.memory_space<vmem>>) dst(%dma_wait3A_81 : memref<10112xf32, #tpu.memory_space<vmem_shared>>)
        tpu.yield
      }) : () -> ()
      %run_scoped3A_61 = arith.constant 1 : i32
      %run_scoped3A_62 = arith.constant 2 : i32
      "tpu.region"() ({
        %run_scoped3A_73 = tpu.sem_alloc : memref<!tpu.dma_semaphore, #tpu.memory_space<semaphore_mem>>
        %dma_start3A = arith.constant 0 : i32
        %dma_start3A_74 = tpu.memref_slice %arg6[%run_scoped3A_61, %run_scoped3A_62, %dma_start3A] : memref<2x8x128xi32, #tpu.memory_space<vmem>> -> memref<1x1x128xi32, #tpu.memory_space<vmem>>
        %dma_start3A_75 = tpu.memref_squeeze %dma_start3A_74 : memref<1x1x128xi32, #tpu.memory_space<vmem>> -> memref<128xi32, #tpu.memory_space<vmem>>
        %dma_start3A_76 = arith.constant 0 : i32
        %dma_start3A_77 = tpu.memref_slice %arg11[%dma_start3A_76] : memref<10112xf32, #tpu.memory_space<vmem_shared>> -> memref<10112xf32, #tpu.memory_space<vmem_shared>>
        tpu.enqueue_indirect_dma source(%arg7 : memref<128xf32, #tpu.memory_space<vmem>>) target(%dma_start3A_77 : memref<10112xf32, #tpu.memory_space<vmem_shared>>) offsets(%dma_start3A_75 : memref<128xi32, #tpu.memory_space<vmem>>) semaphore(%run_scoped3A_73 : memref<!tpu.dma_semaphore, #tpu.memory_space<semaphore_mem>>) {add = true}
        %dma_wait3A = arith.constant 0 : i32
        %dma_wait3A_78 = tpu.memref_slice %arg6[%run_scoped3A_61, %run_scoped3A_62, %dma_wait3A] : memref<2x8x128xi32, #tpu.memory_space<vmem>> -> memref<1x1x128xi32, #tpu.memory_space<vmem>>
        %dma_wait3A_79 = tpu.memref_squeeze %dma_wait3A_78 : memref<1x1x128xi32, #tpu.memory_space<vmem>> -> memref<128xi32, #tpu.memory_space<vmem>>
        %dma_wait3A_80 = arith.constant 0 : i32
        %dma_wait3A_81 = tpu.memref_slice %arg11[%dma_wait3A_80] : memref<10112xf32, #tpu.memory_space<vmem_shared>> -> memref<10112xf32, #tpu.memory_space<vmem_shared>>
        tpu.wait_indirect_dma semaphore(%run_scoped3A_73 : memref<!tpu.dma_semaphore, #tpu.memory_space<semaphore_mem>>) src(%arg7 : memref<128xf32, #tpu.memory_space<vmem>>) dst(%dma_wait3A_81 : memref<10112xf32, #tpu.memory_space<vmem_shared>>)
        tpu.yield
      }) : () -> ()
      %run_scoped3A_63 = arith.constant 1 : i32
      %run_scoped3A_64 = arith.constant 3 : i32
      "tpu.region"() ({
        %run_scoped3A_73 = tpu.sem_alloc : memref<!tpu.dma_semaphore, #tpu.memory_space<semaphore_mem>>
        %dma_start3A = arith.constant 0 : i32
        %dma_start3A_74 = tpu.memref_slice %arg6[%run_scoped3A_63, %run_scoped3A_64, %dma_start3A] : memref<2x8x128xi32, #tpu.memory_space<vmem>> -> memref<1x1x128xi32, #tpu.memory_space<vmem>>
        %dma_start3A_75 = tpu.memref_squeeze %dma_start3A_74 : memref<1x1x128xi32, #tpu.memory_space<vmem>> -> memref<128xi32, #tpu.memory_space<vmem>>
        %dma_start3A_76 = arith.constant 0 : i32
        %dma_start3A_77 = tpu.memref_slice %arg11[%dma_start3A_76] : memref<10112xf32, #tpu.memory_space<vmem_shared>> -> memref<10112xf32, #tpu.memory_space<vmem_shared>>
        tpu.enqueue_indirect_dma source(%arg7 : memref<128xf32, #tpu.memory_space<vmem>>) target(%dma_start3A_77 : memref<10112xf32, #tpu.memory_space<vmem_shared>>) offsets(%dma_start3A_75 : memref<128xi32, #tpu.memory_space<vmem>>) semaphore(%run_scoped3A_73 : memref<!tpu.dma_semaphore, #tpu.memory_space<semaphore_mem>>) {add = true}
        %dma_wait3A = arith.constant 0 : i32
        %dma_wait3A_78 = tpu.memref_slice %arg6[%run_scoped3A_63, %run_scoped3A_64, %dma_wait3A] : memref<2x8x128xi32, #tpu.memory_space<vmem>> -> memref<1x1x128xi32, #tpu.memory_space<vmem>>
        %dma_wait3A_79 = tpu.memref_squeeze %dma_wait3A_78 : memref<1x1x128xi32, #tpu.memory_space<vmem>> -> memref<128xi32, #tpu.memory_space<vmem>>
        %dma_wait3A_80 = arith.constant 0 : i32
        %dma_wait3A_81 = tpu.memref_slice %arg11[%dma_wait3A_80] : memref<10112xf32, #tpu.memory_space<vmem_shared>> -> memref<10112xf32, #tpu.memory_space<vmem_shared>>
        tpu.wait_indirect_dma semaphore(%run_scoped3A_73 : memref<!tpu.dma_semaphore, #tpu.memory_space<semaphore_mem>>) src(%arg7 : memref<128xf32, #tpu.memory_space<vmem>>) dst(%dma_wait3A_81 : memref<10112xf32, #tpu.memory_space<vmem_shared>>)
        tpu.yield
      }) : () -> ()
      %run_scoped3A_65 = arith.constant 1 : i32
      %run_scoped3A_66 = arith.constant 4 : i32
      "tpu.region"() ({
        %run_scoped3A_73 = tpu.sem_alloc : memref<!tpu.dma_semaphore, #tpu.memory_space<semaphore_mem>>
        %dma_start3A = arith.constant 0 : i32
        %dma_start3A_74 = tpu.memref_slice %arg6[%run_scoped3A_65, %run_scoped3A_66, %dma_start3A] : memref<2x8x128xi32, #tpu.memory_space<vmem>> -> memref<1x1x128xi32, #tpu.memory_space<vmem>>
        %dma_start3A_75 = tpu.memref_squeeze %dma_start3A_74 : memref<1x1x128xi32, #tpu.memory_space<vmem>> -> memref<128xi32, #tpu.memory_space<vmem>>
        %dma_start3A_76 = arith.constant 0 : i32
        %dma_start3A_77 = tpu.memref_slice %arg11[%dma_start3A_76] : memref<10112xf32, #tpu.memory_space<vmem_shared>> -> memref<10112xf32, #tpu.memory_space<vmem_shared>>
        tpu.enqueue_indirect_dma source(%arg7 : memref<128xf32, #tpu.memory_space<vmem>>) target(%dma_start3A_77 : memref<10112xf32, #tpu.memory_space<vmem_shared>>) offsets(%dma_start3A_75 : memref<128xi32, #tpu.memory_space<vmem>>) semaphore(%run_scoped3A_73 : memref<!tpu.dma_semaphore, #tpu.memory_space<semaphore_mem>>) {add = true}
        %dma_wait3A = arith.constant 0 : i32
        %dma_wait3A_78 = tpu.memref_slice %arg6[%run_scoped3A_65, %run_scoped3A_66, %dma_wait3A] : memref<2x8x128xi32, #tpu.memory_space<vmem>> -> memref<1x1x128xi32, #tpu.memory_space<vmem>>
        %dma_wait3A_79 = tpu.memref_squeeze %dma_wait3A_78 : memref<1x1x128xi32, #tpu.memory_space<vmem>> -> memref<128xi32, #tpu.memory_space<vmem>>
        %dma_wait3A_80 = arith.constant 0 : i32
        %dma_wait3A_81 = tpu.memref_slice %arg11[%dma_wait3A_80] : memref<10112xf32, #tpu.memory_space<vmem_shared>> -> memref<10112xf32, #tpu.memory_space<vmem_shared>>
        tpu.wait_indirect_dma semaphore(%run_scoped3A_73 : memref<!tpu.dma_semaphore, #tpu.memory_space<semaphore_mem>>) src(%arg7 : memref<128xf32, #tpu.memory_space<vmem>>) dst(%dma_wait3A_81 : memref<10112xf32, #tpu.memory_space<vmem_shared>>)
        tpu.yield
      }) : () -> ()
      %run_scoped3A_67 = arith.constant 1 : i32
      %run_scoped3A_68 = arith.constant 5 : i32
      "tpu.region"() ({
        %run_scoped3A_73 = tpu.sem_alloc : memref<!tpu.dma_semaphore, #tpu.memory_space<semaphore_mem>>
        %dma_start3A = arith.constant 0 : i32
        %dma_start3A_74 = tpu.memref_slice %arg6[%run_scoped3A_67, %run_scoped3A_68, %dma_start3A] : memref<2x8x128xi32, #tpu.memory_space<vmem>> -> memref<1x1x128xi32, #tpu.memory_space<vmem>>
        %dma_start3A_75 = tpu.memref_squeeze %dma_start3A_74 : memref<1x1x128xi32, #tpu.memory_space<vmem>> -> memref<128xi32, #tpu.memory_space<vmem>>
        %dma_start3A_76 = arith.constant 0 : i32
        %dma_start3A_77 = tpu.memref_slice %arg11[%dma_start3A_76] : memref<10112xf32, #tpu.memory_space<vmem_shared>> -> memref<10112xf32, #tpu.memory_space<vmem_shared>>
        tpu.enqueue_indirect_dma source(%arg7 : memref<128xf32, #tpu.memory_space<vmem>>) target(%dma_start3A_77 : memref<10112xf32, #tpu.memory_space<vmem_shared>>) offsets(%dma_start3A_75 : memref<128xi32, #tpu.memory_space<vmem>>) semaphore(%run_scoped3A_73 : memref<!tpu.dma_semaphore, #tpu.memory_space<semaphore_mem>>) {add = true}
        %dma_wait3A = arith.constant 0 : i32
        %dma_wait3A_78 = tpu.memref_slice %arg6[%run_scoped3A_67, %run_scoped3A_68, %dma_wait3A] : memref<2x8x128xi32, #tpu.memory_space<vmem>> -> memref<1x1x128xi32, #tpu.memory_space<vmem>>
        %dma_wait3A_79 = tpu.memref_squeeze %dma_wait3A_78 : memref<1x1x128xi32, #tpu.memory_space<vmem>> -> memref<128xi32, #tpu.memory_space<vmem>>
        %dma_wait3A_80 = arith.constant 0 : i32
        %dma_wait3A_81 = tpu.memref_slice %arg11[%dma_wait3A_80] : memref<10112xf32, #tpu.memory_space<vmem_shared>> -> memref<10112xf32, #tpu.memory_space<vmem_shared>>
        tpu.wait_indirect_dma semaphore(%run_scoped3A_73 : memref<!tpu.dma_semaphore, #tpu.memory_space<semaphore_mem>>) src(%arg7 : memref<128xf32, #tpu.memory_space<vmem>>) dst(%dma_wait3A_81 : memref<10112xf32, #tpu.memory_space<vmem_shared>>)
        tpu.yield
      }) : () -> ()
      %run_scoped3A_69 = arith.constant 1 : i32
      %run_scoped3A_70 = arith.constant 6 : i32
      "tpu.region"() ({
        %run_scoped3A_73 = tpu.sem_alloc : memref<!tpu.dma_semaphore, #tpu.memory_space<semaphore_mem>>
        %dma_start3A = arith.constant 0 : i32
        %dma_start3A_74 = tpu.memref_slice %arg6[%run_scoped3A_69, %run_scoped3A_70, %dma_start3A] : memref<2x8x128xi32, #tpu.memory_space<vmem>> -> memref<1x1x128xi32, #tpu.memory_space<vmem>>
        %dma_start3A_75 = tpu.memref_squeeze %dma_start3A_74 : memref<1x1x128xi32, #tpu.memory_space<vmem>> -> memref<128xi32, #tpu.memory_space<vmem>>
        %dma_start3A_76 = arith.constant 0 : i32
        %dma_start3A_77 = tpu.memref_slice %arg11[%dma_start3A_76] : memref<10112xf32, #tpu.memory_space<vmem_shared>> -> memref<10112xf32, #tpu.memory_space<vmem_shared>>
        tpu.enqueue_indirect_dma source(%arg7 : memref<128xf32, #tpu.memory_space<vmem>>) target(%dma_start3A_77 : memref<10112xf32, #tpu.memory_space<vmem_shared>>) offsets(%dma_start3A_75 : memref<128xi32, #tpu.memory_space<vmem>>) semaphore(%run_scoped3A_73 : memref<!tpu.dma_semaphore, #tpu.memory_space<semaphore_mem>>) {add = true}
        %dma_wait3A = arith.constant 0 : i32
        %dma_wait3A_78 = tpu.memref_slice %arg6[%run_scoped3A_69, %run_scoped3A_70, %dma_wait3A] : memref<2x8x128xi32, #tpu.memory_space<vmem>> -> memref<1x1x128xi32, #tpu.memory_space<vmem>>
        %dma_wait3A_79 = tpu.memref_squeeze %dma_wait3A_78 : memref<1x1x128xi32, #tpu.memory_space<vmem>> -> memref<128xi32, #tpu.memory_space<vmem>>
        %dma_wait3A_80 = arith.constant 0 : i32
        %dma_wait3A_81 = tpu.memref_slice %arg11[%dma_wait3A_80] : memref<10112xf32, #tpu.memory_space<vmem_shared>> -> memref<10112xf32, #tpu.memory_space<vmem_shared>>
        tpu.wait_indirect_dma semaphore(%run_scoped3A_73 : memref<!tpu.dma_semaphore, #tpu.memory_space<semaphore_mem>>) src(%arg7 : memref<128xf32, #tpu.memory_space<vmem>>) dst(%dma_wait3A_81 : memref<10112xf32, #tpu.memory_space<vmem_shared>>)
        tpu.yield
      }) : () -> ()
      %run_scoped3A_71 = arith.constant 1 : i32
      %run_scoped3A_72 = arith.constant 7 : i32
      "tpu.region"() ({
        %run_scoped3A_73 = tpu.sem_alloc : memref<!tpu.dma_semaphore, #tpu.memory_space<semaphore_mem>>
        %dma_start3A = arith.constant 0 : i32
        %dma_start3A_74 = tpu.memref_slice %arg6[%run_scoped3A_71, %run_scoped3A_72, %dma_start3A] : memref<2x8x128xi32, #tpu.memory_space<vmem>> -> memref<1x1x128xi32, #tpu.memory_space<vmem>>
        %dma_start3A_75 = tpu.memref_squeeze %dma_start3A_74 : memref<1x1x128xi32, #tpu.memory_space<vmem>> -> memref<128xi32, #tpu.memory_space<vmem>>
        %dma_start3A_76 = arith.constant 0 : i32
        %dma_start3A_77 = tpu.memref_slice %arg11[%dma_start3A_76] : memref<10112xf32, #tpu.memory_space<vmem_shared>> -> memref<10112xf32, #tpu.memory_space<vmem_shared>>
        tpu.enqueue_indirect_dma source(%arg7 : memref<128xf32, #tpu.memory_space<vmem>>) target(%dma_start3A_77 : memref<10112xf32, #tpu.memory_space<vmem_shared>>) offsets(%dma_start3A_75 : memref<128xi32, #tpu.memory_space<vmem>>) semaphore(%run_scoped3A_73 : memref<!tpu.dma_semaphore, #tpu.memory_space<semaphore_mem>>) {add = true}
        %dma_wait3A = arith.constant 0 : i32
        %dma_wait3A_78 = tpu.memref_slice %arg6[%run_scoped3A_71, %run_scoped3A_72, %dma_wait3A] : memref<2x8x128xi32, #tpu.memory_space<vmem>> -> memref<1x1x128xi32, #tpu.memory_space<vmem>>
        %dma_wait3A_79 = tpu.memref_squeeze %dma_wait3A_78 : memref<1x1x128xi32, #tpu.memory_space<vmem>> -> memref<128xi32, #tpu.memory_space<vmem>>
        %dma_wait3A_80 = arith.constant 0 : i32
        %dma_wait3A_81 = tpu.memref_slice %arg11[%dma_wait3A_80] : memref<10112xf32, #tpu.memory_space<vmem_shared>> -> memref<10112xf32, #tpu.memory_space<vmem_shared>>
        tpu.wait_indirect_dma semaphore(%run_scoped3A_73 : memref<!tpu.dma_semaphore, #tpu.memory_space<semaphore_mem>>) src(%arg7 : memref<128xf32, #tpu.memory_space<vmem>>) dst(%dma_wait3A_81 : memref<10112xf32, #tpu.memory_space<vmem_shared>>)
        tpu.yield
      }) : () -> ()
    }
    %scan3A_7 = arith.constant 5 : i32
    %barrier3A_8 = arith.constant 0 : index
    tpu.barrier barrier_id(%barrier3A_8)
    "tpu.region"() ({
      %run_scoped3A_12 = tpu.sem_alloc : memref<!tpu.dma_semaphore, #tpu.memory_space<semaphore_mem>>
      %dma_start3A = tpu.memref_slice %arg11[%mul3A_2] : memref<10112xf32, #tpu.memory_space<vmem_shared>> -> memref<632xf32, #tpu.memory_space<vmem_shared>>
      %dma_start3A_13 = tpu.memref_slice %arg11[%mul3A_2] : memref<10112xf32, #tpu.memory_space<vmem_shared>> -> memref<632xf32, #tpu.memory_space<vmem_shared>>
      tpu.enqueue_dma source(%dma_start3A_13 : memref<632xf32, #tpu.memory_space<vmem_shared>>) target(%arg8 : memref<632xf32, #tpu.memory_space<vmem>>) target_semaphore(%run_scoped3A_12 : memref<!tpu.dma_semaphore, #tpu.memory_space<semaphore_mem>>)
      %dma_wait3A = tpu.memref_slice %arg11[%mul3A_2] : memref<10112xf32, #tpu.memory_space<vmem_shared>> -> memref<632xf32, #tpu.memory_space<vmem_shared>>
      %dma_wait3A_14 = tpu.memref_slice %arg11[%mul3A_2] : memref<10112xf32, #tpu.memory_space<vmem_shared>> -> memref<632xf32, #tpu.memory_space<vmem_shared>>
      tpu.wait_dma2 semaphore(%run_scoped3A_12 : memref<!tpu.dma_semaphore, #tpu.memory_space<semaphore_mem>>) src(%dma_wait3A_14 : memref<632xf32, #tpu.memory_space<vmem_shared>>) dst(%arg8 : memref<632xf32, #tpu.memory_space<vmem>>)
      tpu.yield
    }) : () -> ()
    %mul3A_9 = arith.constant 10112 : i32
    %mul3A_10 = arith.muli %arg0, %mul3A_9 : i32
    %add3A_11 = arith.addi %mul3A_10, %mul3A_2 : i32
    "tpu.region"() ({
      %run_scoped3A_12 = tpu.sem_alloc : memref<!tpu.dma_semaphore, #tpu.memory_space<semaphore_mem>>
      %dma_start3A = tpu.memref_slice %arg5[%add3A_11] : memref<20224xf32, #tpu.memory_space<hbm>> -> memref<632xf32, #tpu.memory_space<hbm>>
      %dma_start3A_13 = tpu.memref_slice %arg5[%add3A_11] : memref<20224xf32, #tpu.memory_space<hbm>> -> memref<632xf32, #tpu.memory_space<hbm>>
      tpu.enqueue_dma source(%arg8 : memref<632xf32, #tpu.memory_space<vmem>>) target(%dma_start3A_13 : memref<632xf32, #tpu.memory_space<hbm>>) target_semaphore(%run_scoped3A_12 : memref<!tpu.dma_semaphore, #tpu.memory_space<semaphore_mem>>)
      %dma_wait3A = tpu.memref_slice %arg5[%add3A_11] : memref<20224xf32, #tpu.memory_space<hbm>> -> memref<632xf32, #tpu.memory_space<hbm>>
      %dma_wait3A_14 = tpu.memref_slice %arg5[%add3A_11] : memref<20224xf32, #tpu.memory_space<hbm>> -> memref<632xf32, #tpu.memory_space<hbm>>
      tpu.wait_dma2 semaphore(%run_scoped3A_12 : memref<!tpu.dma_semaphore, #tpu.memory_space<semaphore_mem>>) src(%arg8 : memref<632xf32, #tpu.memory_space<vmem>>) dst(%dma_wait3A_14 : memref<632xf32, #tpu.memory_space<hbm>>)
      tpu.yield
    }) : () -> ()
    return
  }
}

#map = affine_map<(d0, d1) -> (0, 0)>
#map1 = affine_map<(d0, d1) -> (0, 0, 0)>
module attributes {stable_mosaic.version = 14 : i64} {
  func.func @body(%arg0: i32, %arg1: i32, %arg2: memref<10000x128xf32, #tpu.memory_space<hbm>>, %arg3: memref<32x79x128xi32, #tpu.memory_space<hbm>>, %arg4: memref<32x79x128xi32, #tpu.memory_space<hbm>>, %arg5: memref<128x128xf32, #tpu.memory_space<hbm>>, %arg6: memref<2x10112x128xf32, #tpu.memory_space<hbm>>, %arg7: memref<79x128xi32, #tpu.memory_space<vmem>>, %arg8: memref<79x128xi32, #tpu.memory_space<vmem>>, %arg9: memref<128x128xf32, #tpu.memory_space<vmem>>, %arg10: memref<!tpu.dma_semaphore, #tpu.memory_space<semaphore_mem>>, %arg11: memref<10112x128xf32, #tpu.memory_space<vmem_shared>>) attributes {dimension_semantics = [#tpu.dimension_semantics<core_parallel>, #tpu.dimension_semantics<subcore_parallel>], iteration_bounds = array<i64: 2, 16>, scalar_prefetch = 0 : i64, scratch_operands = 5 : i64, tpu.core_type = #tpu.core_type<sc_vector_subcore>, window_params = [{transform_indices = #map}, {transform_indices = #map1}, {transform_indices = #map1}, {transform_indices = #map}, {transform_indices = #map1}]} {
    %mul3A = arith.constant 16 : i32
    %mul3A_0 = arith.muli %arg0, %mul3A : i32
    %add3A = arith.addi %mul3A_0, %arg1 : i32
    %mul3A_1 = arith.constant 632 : i32
    %mul3A_2 = arith.muli %arg1, %mul3A_1 : i32
    "tpu.region"() ({
      %run_scoped3A = tpu.sem_alloc : memref<!tpu.dma_semaphore, #tpu.memory_space<semaphore_mem>>
      tpu.enqueue_dma source(%arg5 : memref<128x128xf32, #tpu.memory_space<hbm>>) target(%arg9 : memref<128x128xf32, #tpu.memory_space<vmem>>) target_semaphore(%run_scoped3A : memref<!tpu.dma_semaphore, #tpu.memory_space<semaphore_mem>>)
      tpu.wait_dma2 semaphore(%run_scoped3A : memref<!tpu.dma_semaphore, #tpu.memory_space<semaphore_mem>>) src(%arg5 : memref<128x128xf32, #tpu.memory_space<hbm>>) dst(%arg9 : memref<128x128xf32, #tpu.memory_space<vmem>>)
      tpu.yield
    }) : () -> ()
    %add3A_3 = arith.constant 0 : i32
    %add3A_4 = arith.addi %mul3A_2, %add3A_3 : i32
    "tpu.region"() ({
      %run_scoped3A = tpu.sem_alloc : memref<!tpu.dma_semaphore, #tpu.memory_space<semaphore_mem>>
      %dma_start3A = arith.constant 0 : i32
      %dma_start3A_39 = arith.constant 0 : i32
      %dma_start3A_40 = tpu.memref_slice %arg9[%dma_start3A, %dma_start3A_39] : memref<128x128xf32, #tpu.memory_space<vmem>> -> memref<128x128xf32, #tpu.memory_space<vmem>>
      %dma_start3A_41 = arith.constant 0 : i32
      %dma_start3A_42 = tpu.memref_slice %arg11[%add3A_4, %dma_start3A_41] : memref<10112x128xf32, #tpu.memory_space<vmem_shared>> -> memref<128x128xf32, #tpu.memory_space<vmem_shared>>
      %dma_start3A_43 = arith.constant 0 : i32
      %dma_start3A_44 = tpu.memref_slice %arg11[%add3A_4, %dma_start3A_43] : memref<10112x128xf32, #tpu.memory_space<vmem_shared>> -> memref<128x128xf32, #tpu.memory_space<vmem_shared>>
      %dma_start3A_45 = arith.constant 0 : i32
      %dma_start3A_46 = arith.constant 0 : i32
      %dma_start3A_47 = tpu.memref_slice %arg9[%dma_start3A_45, %dma_start3A_46] : memref<128x128xf32, #tpu.memory_space<vmem>> -> memref<128x128xf32, #tpu.memory_space<vmem>>
      tpu.enqueue_dma source(%dma_start3A_47 : memref<128x128xf32, #tpu.memory_space<vmem>>) target(%dma_start3A_44 : memref<128x128xf32, #tpu.memory_space<vmem_shared>>) target_semaphore(%run_scoped3A : memref<!tpu.dma_semaphore, #tpu.memory_space<semaphore_mem>>)
      %dma_wait3A = arith.constant 0 : i32
      %dma_wait3A_48 = arith.constant 0 : i32
      %dma_wait3A_49 = tpu.memref_slice %arg9[%dma_wait3A, %dma_wait3A_48] : memref<128x128xf32, #tpu.memory_space<vmem>> -> memref<128x128xf32, #tpu.memory_space<vmem>>
      %dma_wait3A_50 = arith.constant 0 : i32
      %dma_wait3A_51 = tpu.memref_slice %arg11[%add3A_4, %dma_wait3A_50] : memref<10112x128xf32, #tpu.memory_space<vmem_shared>> -> memref<128x128xf32, #tpu.memory_space<vmem_shared>>
      %dma_wait3A_52 = arith.constant 0 : i32
      %dma_wait3A_53 = tpu.memref_slice %arg11[%add3A_4, %dma_wait3A_52] : memref<10112x128xf32, #tpu.memory_space<vmem_shared>> -> memref<128x128xf32, #tpu.memory_space<vmem_shared>>
      %dma_wait3A_54 = arith.constant 0 : i32
      %dma_wait3A_55 = arith.constant 0 : i32
      %dma_wait3A_56 = tpu.memref_slice %arg9[%dma_wait3A_54, %dma_wait3A_55] : memref<128x128xf32, #tpu.memory_space<vmem>> -> memref<128x128xf32, #tpu.memory_space<vmem>>
      tpu.wait_dma2 semaphore(%run_scoped3A : memref<!tpu.dma_semaphore, #tpu.memory_space<semaphore_mem>>) src(%dma_wait3A_56 : memref<128x128xf32, #tpu.memory_space<vmem>>) dst(%dma_wait3A_53 : memref<128x128xf32, #tpu.memory_space<vmem_shared>>)
      tpu.yield
    }) : () -> ()
    %add3A_5 = arith.constant 128 : i32
    %add3A_6 = arith.addi %mul3A_2, %add3A_5 : i32
    "tpu.region"() ({
      %run_scoped3A = tpu.sem_alloc : memref<!tpu.dma_semaphore, #tpu.memory_space<semaphore_mem>>
      %dma_start3A = arith.constant 0 : i32
      %dma_start3A_39 = arith.constant 0 : i32
      %dma_start3A_40 = tpu.memref_slice %arg9[%dma_start3A, %dma_start3A_39] : memref<128x128xf32, #tpu.memory_space<vmem>> -> memref<128x128xf32, #tpu.memory_space<vmem>>
      %dma_start3A_41 = arith.constant 0 : i32
      %dma_start3A_42 = tpu.memref_slice %arg11[%add3A_6, %dma_start3A_41] : memref<10112x128xf32, #tpu.memory_space<vmem_shared>> -> memref<128x128xf32, #tpu.memory_space<vmem_shared>>
      %dma_start3A_43 = arith.constant 0 : i32
      %dma_start3A_44 = tpu.memref_slice %arg11[%add3A_6, %dma_start3A_43] : memref<10112x128xf32, #tpu.memory_space<vmem_shared>> -> memref<128x128xf32, #tpu.memory_space<vmem_shared>>
      %dma_start3A_45 = arith.constant 0 : i32
      %dma_start3A_46 = arith.constant 0 : i32
      %dma_start3A_47 = tpu.memref_slice %arg9[%dma_start3A_45, %dma_start3A_46] : memref<128x128xf32, #tpu.memory_space<vmem>> -> memref<128x128xf32, #tpu.memory_space<vmem>>
      tpu.enqueue_dma source(%dma_start3A_47 : memref<128x128xf32, #tpu.memory_space<vmem>>) target(%dma_start3A_44 : memref<128x128xf32, #tpu.memory_space<vmem_shared>>) target_semaphore(%run_scoped3A : memref<!tpu.dma_semaphore, #tpu.memory_space<semaphore_mem>>)
      %dma_wait3A = arith.constant 0 : i32
      %dma_wait3A_48 = arith.constant 0 : i32
      %dma_wait3A_49 = tpu.memref_slice %arg9[%dma_wait3A, %dma_wait3A_48] : memref<128x128xf32, #tpu.memory_space<vmem>> -> memref<128x128xf32, #tpu.memory_space<vmem>>
      %dma_wait3A_50 = arith.constant 0 : i32
      %dma_wait3A_51 = tpu.memref_slice %arg11[%add3A_6, %dma_wait3A_50] : memref<10112x128xf32, #tpu.memory_space<vmem_shared>> -> memref<128x128xf32, #tpu.memory_space<vmem_shared>>
      %dma_wait3A_52 = arith.constant 0 : i32
      %dma_wait3A_53 = tpu.memref_slice %arg11[%add3A_6, %dma_wait3A_52] : memref<10112x128xf32, #tpu.memory_space<vmem_shared>> -> memref<128x128xf32, #tpu.memory_space<vmem_shared>>
      %dma_wait3A_54 = arith.constant 0 : i32
      %dma_wait3A_55 = arith.constant 0 : i32
      %dma_wait3A_56 = tpu.memref_slice %arg9[%dma_wait3A_54, %dma_wait3A_55] : memref<128x128xf32, #tpu.memory_space<vmem>> -> memref<128x128xf32, #tpu.memory_space<vmem>>
      tpu.wait_dma2 semaphore(%run_scoped3A : memref<!tpu.dma_semaphore, #tpu.memory_space<semaphore_mem>>) src(%dma_wait3A_56 : memref<128x128xf32, #tpu.memory_space<vmem>>) dst(%dma_wait3A_53 : memref<128x128xf32, #tpu.memory_space<vmem_shared>>)
      tpu.yield
    }) : () -> ()
    %add3A_7 = arith.constant 256 : i32
    %add3A_8 = arith.addi %mul3A_2, %add3A_7 : i32
    "tpu.region"() ({
      %run_scoped3A = tpu.sem_alloc : memref<!tpu.dma_semaphore, #tpu.memory_space<semaphore_mem>>
      %dma_start3A = arith.constant 0 : i32
      %dma_start3A_39 = arith.constant 0 : i32
      %dma_start3A_40 = tpu.memref_slice %arg9[%dma_start3A, %dma_start3A_39] : memref<128x128xf32, #tpu.memory_space<vmem>> -> memref<128x128xf32, #tpu.memory_space<vmem>>
      %dma_start3A_41 = arith.constant 0 : i32
      %dma_start3A_42 = tpu.memref_slice %arg11[%add3A_8, %dma_start3A_41] : memref<10112x128xf32, #tpu.memory_space<vmem_shared>> -> memref<128x128xf32, #tpu.memory_space<vmem_shared>>
      %dma_start3A_43 = arith.constant 0 : i32
      %dma_start3A_44 = tpu.memref_slice %arg11[%add3A_8, %dma_start3A_43] : memref<10112x128xf32, #tpu.memory_space<vmem_shared>> -> memref<128x128xf32, #tpu.memory_space<vmem_shared>>
      %dma_start3A_45 = arith.constant 0 : i32
      %dma_start3A_46 = arith.constant 0 : i32
      %dma_start3A_47 = tpu.memref_slice %arg9[%dma_start3A_45, %dma_start3A_46] : memref<128x128xf32, #tpu.memory_space<vmem>> -> memref<128x128xf32, #tpu.memory_space<vmem>>
      tpu.enqueue_dma source(%dma_start3A_47 : memref<128x128xf32, #tpu.memory_space<vmem>>) target(%dma_start3A_44 : memref<128x128xf32, #tpu.memory_space<vmem_shared>>) target_semaphore(%run_scoped3A : memref<!tpu.dma_semaphore, #tpu.memory_space<semaphore_mem>>)
      %dma_wait3A = arith.constant 0 : i32
      %dma_wait3A_48 = arith.constant 0 : i32
      %dma_wait3A_49 = tpu.memref_slice %arg9[%dma_wait3A, %dma_wait3A_48] : memref<128x128xf32, #tpu.memory_space<vmem>> -> memref<128x128xf32, #tpu.memory_space<vmem>>
      %dma_wait3A_50 = arith.constant 0 : i32
      %dma_wait3A_51 = tpu.memref_slice %arg11[%add3A_8, %dma_wait3A_50] : memref<10112x128xf32, #tpu.memory_space<vmem_shared>> -> memref<128x128xf32, #tpu.memory_space<vmem_shared>>
      %dma_wait3A_52 = arith.constant 0 : i32
      %dma_wait3A_53 = tpu.memref_slice %arg11[%add3A_8, %dma_wait3A_52] : memref<10112x128xf32, #tpu.memory_space<vmem_shared>> -> memref<128x128xf32, #tpu.memory_space<vmem_shared>>
      %dma_wait3A_54 = arith.constant 0 : i32
      %dma_wait3A_55 = arith.constant 0 : i32
      %dma_wait3A_56 = tpu.memref_slice %arg9[%dma_wait3A_54, %dma_wait3A_55] : memref<128x128xf32, #tpu.memory_space<vmem>> -> memref<128x128xf32, #tpu.memory_space<vmem>>
      tpu.wait_dma2 semaphore(%run_scoped3A : memref<!tpu.dma_semaphore, #tpu.memory_space<semaphore_mem>>) src(%dma_wait3A_56 : memref<128x128xf32, #tpu.memory_space<vmem>>) dst(%dma_wait3A_53 : memref<128x128xf32, #tpu.memory_space<vmem_shared>>)
      tpu.yield
    }) : () -> ()
    %add3A_9 = arith.constant 384 : i32
    %add3A_10 = arith.addi %mul3A_2, %add3A_9 : i32
    "tpu.region"() ({
      %run_scoped3A = tpu.sem_alloc : memref<!tpu.dma_semaphore, #tpu.memory_space<semaphore_mem>>
      %dma_start3A = arith.constant 0 : i32
      %dma_start3A_39 = arith.constant 0 : i32
      %dma_start3A_40 = tpu.memref_slice %arg9[%dma_start3A, %dma_start3A_39] : memref<128x128xf32, #tpu.memory_space<vmem>> -> memref<128x128xf32, #tpu.memory_space<vmem>>
      %dma_start3A_41 = arith.constant 0 : i32
      %dma_start3A_42 = tpu.memref_slice %arg11[%add3A_10, %dma_start3A_41] : memref<10112x128xf32, #tpu.memory_space<vmem_shared>> -> memref<128x128xf32, #tpu.memory_space<vmem_shared>>
      %dma_start3A_43 = arith.constant 0 : i32
      %dma_start3A_44 = tpu.memref_slice %arg11[%add3A_10, %dma_start3A_43] : memref<10112x128xf32, #tpu.memory_space<vmem_shared>> -> memref<128x128xf32, #tpu.memory_space<vmem_shared>>
      %dma_start3A_45 = arith.constant 0 : i32
      %dma_start3A_46 = arith.constant 0 : i32
      %dma_start3A_47 = tpu.memref_slice %arg9[%dma_start3A_45, %dma_start3A_46] : memref<128x128xf32, #tpu.memory_space<vmem>> -> memref<128x128xf32, #tpu.memory_space<vmem>>
      tpu.enqueue_dma source(%dma_start3A_47 : memref<128x128xf32, #tpu.memory_space<vmem>>) target(%dma_start3A_44 : memref<128x128xf32, #tpu.memory_space<vmem_shared>>) target_semaphore(%run_scoped3A : memref<!tpu.dma_semaphore, #tpu.memory_space<semaphore_mem>>)
      %dma_wait3A = arith.constant 0 : i32
      %dma_wait3A_48 = arith.constant 0 : i32
      %dma_wait3A_49 = tpu.memref_slice %arg9[%dma_wait3A, %dma_wait3A_48] : memref<128x128xf32, #tpu.memory_space<vmem>> -> memref<128x128xf32, #tpu.memory_space<vmem>>
      %dma_wait3A_50 = arith.constant 0 : i32
      %dma_wait3A_51 = tpu.memref_slice %arg11[%add3A_10, %dma_wait3A_50] : memref<10112x128xf32, #tpu.memory_space<vmem_shared>> -> memref<128x128xf32, #tpu.memory_space<vmem_shared>>
      %dma_wait3A_52 = arith.constant 0 : i32
      %dma_wait3A_53 = tpu.memref_slice %arg11[%add3A_10, %dma_wait3A_52] : memref<10112x128xf32, #tpu.memory_space<vmem_shared>> -> memref<128x128xf32, #tpu.memory_space<vmem_shared>>
      %dma_wait3A_54 = arith.constant 0 : i32
      %dma_wait3A_55 = arith.constant 0 : i32
      %dma_wait3A_56 = tpu.memref_slice %arg9[%dma_wait3A_54, %dma_wait3A_55] : memref<128x128xf32, #tpu.memory_space<vmem>> -> memref<128x128xf32, #tpu.memory_space<vmem>>
      tpu.wait_dma2 semaphore(%run_scoped3A : memref<!tpu.dma_semaphore, #tpu.memory_space<semaphore_mem>>) src(%dma_wait3A_56 : memref<128x128xf32, #tpu.memory_space<vmem>>) dst(%dma_wait3A_53 : memref<128x128xf32, #tpu.memory_space<vmem_shared>>)
      tpu.yield
    }) : () -> ()
    %add3A_11 = arith.constant 512 : i32
    %add3A_12 = arith.addi %mul3A_2, %add3A_11 : i32
    "tpu.region"() ({
      %run_scoped3A = tpu.sem_alloc : memref<!tpu.dma_semaphore, #tpu.memory_space<semaphore_mem>>
      %dma_start3A = arith.constant 0 : i32
      %dma_start3A_39 = arith.constant 0 : i32
      %dma_start3A_40 = tpu.memref_slice %arg9[%dma_start3A, %dma_start3A_39] : memref<128x128xf32, #tpu.memory_space<vmem>> -> memref<120x128xf32, #tpu.memory_space<vmem>>
      %dma_start3A_41 = arith.constant 0 : i32
      %dma_start3A_42 = tpu.memref_slice %arg11[%add3A_12, %dma_start3A_41] : memref<10112x128xf32, #tpu.memory_space<vmem_shared>> -> memref<120x128xf32, #tpu.memory_space<vmem_shared>>
      %dma_start3A_43 = arith.constant 0 : i32
      %dma_start3A_44 = tpu.memref_slice %arg11[%add3A_12, %dma_start3A_43] : memref<10112x128xf32, #tpu.memory_space<vmem_shared>> -> memref<120x128xf32, #tpu.memory_space<vmem_shared>>
      %dma_start3A_45 = arith.constant 0 : i32
      %dma_start3A_46 = arith.constant 0 : i32
      %dma_start3A_47 = tpu.memref_slice %arg9[%dma_start3A_45, %dma_start3A_46] : memref<128x128xf32, #tpu.memory_space<vmem>> -> memref<120x128xf32, #tpu.memory_space<vmem>>
      tpu.enqueue_dma source(%dma_start3A_47 : memref<120x128xf32, #tpu.memory_space<vmem>>) target(%dma_start3A_44 : memref<120x128xf32, #tpu.memory_space<vmem_shared>>) target_semaphore(%run_scoped3A : memref<!tpu.dma_semaphore, #tpu.memory_space<semaphore_mem>>)
      %dma_wait3A = arith.constant 0 : i32
      %dma_wait3A_48 = arith.constant 0 : i32
      %dma_wait3A_49 = tpu.memref_slice %arg9[%dma_wait3A, %dma_wait3A_48] : memref<128x128xf32, #tpu.memory_space<vmem>> -> memref<120x128xf32, #tpu.memory_space<vmem>>
      %dma_wait3A_50 = arith.constant 0 : i32
      %dma_wait3A_51 = tpu.memref_slice %arg11[%add3A_12, %dma_wait3A_50] : memref<10112x128xf32, #tpu.memory_space<vmem_shared>> -> memref<120x128xf32, #tpu.memory_space<vmem_shared>>
      %dma_wait3A_52 = arith.constant 0 : i32
      %dma_wait3A_53 = tpu.memref_slice %arg11[%add3A_12, %dma_wait3A_52] : memref<10112x128xf32, #tpu.memory_space<vmem_shared>> -> memref<120x128xf32, #tpu.memory_space<vmem_shared>>
      %dma_wait3A_54 = arith.constant 0 : i32
      %dma_wait3A_55 = arith.constant 0 : i32
      %dma_wait3A_56 = tpu.memref_slice %arg9[%dma_wait3A_54, %dma_wait3A_55] : memref<128x128xf32, #tpu.memory_space<vmem>> -> memref<120x128xf32, #tpu.memory_space<vmem>>
      tpu.wait_dma2 semaphore(%run_scoped3A : memref<!tpu.dma_semaphore, #tpu.memory_space<semaphore_mem>>) src(%dma_wait3A_56 : memref<120x128xf32, #tpu.memory_space<vmem>>) dst(%dma_wait3A_53 : memref<120x128xf32, #tpu.memory_space<vmem_shared>>)
      tpu.yield
    }) : () -> ()
    "tpu.region"() ({
      %run_scoped3A = tpu.sem_alloc : memref<!tpu.dma_semaphore, #tpu.memory_space<semaphore_mem>>
      %dma_start3A = arith.constant 0 : i32
      %dma_start3A_39 = arith.constant 0 : i32
      %dma_start3A_40 = tpu.memref_slice %arg3[%add3A, %dma_start3A, %dma_start3A_39] : memref<32x79x128xi32, #tpu.memory_space<hbm>> -> memref<1x79x128xi32, #tpu.memory_space<hbm>>
      %dma_start3A_41 = tpu.memref_squeeze %dma_start3A_40 : memref<1x79x128xi32, #tpu.memory_space<hbm>> -> memref<79x128xi32, #tpu.memory_space<hbm>>
      %dma_start3A_42 = arith.constant 0 : i32
      %dma_start3A_43 = arith.constant 0 : i32
      %dma_start3A_44 = tpu.memref_slice %arg3[%add3A, %dma_start3A_42, %dma_start3A_43] : memref<32x79x128xi32, #tpu.memory_space<hbm>> -> memref<1x79x128xi32, #tpu.memory_space<hbm>>
      %dma_start3A_45 = tpu.memref_squeeze %dma_start3A_44 : memref<1x79x128xi32, #tpu.memory_space<hbm>> -> memref<79x128xi32, #tpu.memory_space<hbm>>
      tpu.enqueue_dma source(%dma_start3A_45 : memref<79x128xi32, #tpu.memory_space<hbm>>) target(%arg7 : memref<79x128xi32, #tpu.memory_space<vmem>>) target_semaphore(%run_scoped3A : memref<!tpu.dma_semaphore, #tpu.memory_space<semaphore_mem>>)
      %dma_wait3A = arith.constant 0 : i32
      %dma_wait3A_46 = arith.constant 0 : i32
      %dma_wait3A_47 = tpu.memref_slice %arg3[%add3A, %dma_wait3A, %dma_wait3A_46] : memref<32x79x128xi32, #tpu.memory_space<hbm>> -> memref<1x79x128xi32, #tpu.memory_space<hbm>>
      %dma_wait3A_48 = tpu.memref_squeeze %dma_wait3A_47 : memref<1x79x128xi32, #tpu.memory_space<hbm>> -> memref<79x128xi32, #tpu.memory_space<hbm>>
      %dma_wait3A_49 = arith.constant 0 : i32
      %dma_wait3A_50 = arith.constant 0 : i32
      %dma_wait3A_51 = tpu.memref_slice %arg3[%add3A, %dma_wait3A_49, %dma_wait3A_50] : memref<32x79x128xi32, #tpu.memory_space<hbm>> -> memref<1x79x128xi32, #tpu.memory_space<hbm>>
      %dma_wait3A_52 = tpu.memref_squeeze %dma_wait3A_51 : memref<1x79x128xi32, #tpu.memory_space<hbm>> -> memref<79x128xi32, #tpu.memory_space<hbm>>
      tpu.wait_dma2 semaphore(%run_scoped3A : memref<!tpu.dma_semaphore, #tpu.memory_space<semaphore_mem>>) src(%dma_wait3A_52 : memref<79x128xi32, #tpu.memory_space<hbm>>) dst(%arg7 : memref<79x128xi32, #tpu.memory_space<vmem>>)
      tpu.yield
    }) : () -> ()
    "tpu.region"() ({
      %run_scoped3A = tpu.sem_alloc : memref<!tpu.dma_semaphore, #tpu.memory_space<semaphore_mem>>
      %dma_start3A = arith.constant 0 : i32
      %dma_start3A_39 = arith.constant 0 : i32
      %dma_start3A_40 = tpu.memref_slice %arg4[%add3A, %dma_start3A, %dma_start3A_39] : memref<32x79x128xi32, #tpu.memory_space<hbm>> -> memref<1x79x128xi32, #tpu.memory_space<hbm>>
      %dma_start3A_41 = tpu.memref_squeeze %dma_start3A_40 : memref<1x79x128xi32, #tpu.memory_space<hbm>> -> memref<79x128xi32, #tpu.memory_space<hbm>>
      %dma_start3A_42 = arith.constant 0 : i32
      %dma_start3A_43 = arith.constant 0 : i32
      %dma_start3A_44 = tpu.memref_slice %arg4[%add3A, %dma_start3A_42, %dma_start3A_43] : memref<32x79x128xi32, #tpu.memory_space<hbm>> -> memref<1x79x128xi32, #tpu.memory_space<hbm>>
      %dma_start3A_45 = tpu.memref_squeeze %dma_start3A_44 : memref<1x79x128xi32, #tpu.memory_space<hbm>> -> memref<79x128xi32, #tpu.memory_space<hbm>>
      tpu.enqueue_dma source(%dma_start3A_45 : memref<79x128xi32, #tpu.memory_space<hbm>>) target(%arg8 : memref<79x128xi32, #tpu.memory_space<vmem>>) target_semaphore(%run_scoped3A : memref<!tpu.dma_semaphore, #tpu.memory_space<semaphore_mem>>)
      %dma_wait3A = arith.constant 0 : i32
      %dma_wait3A_46 = arith.constant 0 : i32
      %dma_wait3A_47 = tpu.memref_slice %arg4[%add3A, %dma_wait3A, %dma_wait3A_46] : memref<32x79x128xi32, #tpu.memory_space<hbm>> -> memref<1x79x128xi32, #tpu.memory_space<hbm>>
      %dma_wait3A_48 = tpu.memref_squeeze %dma_wait3A_47 : memref<1x79x128xi32, #tpu.memory_space<hbm>> -> memref<79x128xi32, #tpu.memory_space<hbm>>
      %dma_wait3A_49 = arith.constant 0 : i32
      %dma_wait3A_50 = arith.constant 0 : i32
      %dma_wait3A_51 = tpu.memref_slice %arg4[%add3A, %dma_wait3A_49, %dma_wait3A_50] : memref<32x79x128xi32, #tpu.memory_space<hbm>> -> memref<1x79x128xi32, #tpu.memory_space<hbm>>
      %dma_wait3A_52 = tpu.memref_squeeze %dma_wait3A_51 : memref<1x79x128xi32, #tpu.memory_space<hbm>> -> memref<79x128xi32, #tpu.memory_space<hbm>>
      tpu.wait_dma2 semaphore(%run_scoped3A : memref<!tpu.dma_semaphore, #tpu.memory_space<semaphore_mem>>) src(%dma_wait3A_52 : memref<79x128xi32, #tpu.memory_space<hbm>>) dst(%arg8 : memref<79x128xi32, #tpu.memory_space<vmem>>)
      tpu.yield
    }) : () -> ()
    %barrier3A = arith.constant 0 : index
    tpu.barrier barrier_id(%barrier3A)
    %scan3A = arith.constant 0 : i32
    %scan3A_13 = arith.constant 0 : i32
    %scan3A_14 = arith.constant 79 : i32
    %scan3A_15 = arith.addi %scan3A_13, %scan3A_14 : i32
    %scan3A_16 = arith.constant 1 : i32
    scf.for %scan3A_39 = %scan3A_13 to %scan3A_15 step %scan3A_16  : i32 {
      %dma_start3A = arith.constant 0 : i32
      %dma_start3A_40 = tpu.memref_slice %arg7[%scan3A_39, %dma_start3A] : memref<79x128xi32, #tpu.memory_space<vmem>> -> memref<1x128xi32, #tpu.memory_space<vmem>>
      %dma_start3A_41 = tpu.memref_squeeze %dma_start3A_40 : memref<1x128xi32, #tpu.memory_space<vmem>> -> memref<128xi32, #tpu.memory_space<vmem>>
      %dma_start3A_42 = arith.constant 0 : i32
      %dma_start3A_43 = arith.constant 0 : i32
      %dma_start3A_44 = tpu.memref_slice %arg2[%dma_start3A_42, %dma_start3A_43] : memref<10000x128xf32, #tpu.memory_space<hbm>> -> memref<10000x128xf32, #tpu.memory_space<hbm>>
      tpu.enqueue_indirect_dma source(%dma_start3A_44 : memref<10000x128xf32, #tpu.memory_space<hbm>>) target(%arg9 : memref<128x128xf32, #tpu.memory_space<vmem>>) offsets(%dma_start3A_41 : memref<128xi32, #tpu.memory_space<vmem>>) semaphore(%arg10 : memref<!tpu.dma_semaphore, #tpu.memory_space<semaphore_mem>>)
      %dma_wait3A = arith.constant 0 : i32
      %dma_wait3A_45 = tpu.memref_slice %arg7[%scan3A_39, %dma_wait3A] : memref<79x128xi32, #tpu.memory_space<vmem>> -> memref<1x128xi32, #tpu.memory_space<vmem>>
      %dma_wait3A_46 = tpu.memref_squeeze %dma_wait3A_45 : memref<1x128xi32, #tpu.memory_space<vmem>> -> memref<128xi32, #tpu.memory_space<vmem>>
      %dma_wait3A_47 = arith.constant 0 : i32
      %dma_wait3A_48 = arith.constant 0 : i32
      %dma_wait3A_49 = tpu.memref_slice %arg2[%dma_wait3A_47, %dma_wait3A_48] : memref<10000x128xf32, #tpu.memory_space<hbm>> -> memref<10000x128xf32, #tpu.memory_space<hbm>>
      tpu.wait_indirect_dma semaphore(%arg10 : memref<!tpu.dma_semaphore, #tpu.memory_space<semaphore_mem>>) src(%dma_wait3A_49 : memref<10000x128xf32, #tpu.memory_space<hbm>>) dst(%arg9 : memref<128x128xf32, #tpu.memory_space<vmem>>)
      "tpu.region"() ({
        %run_scoped3A = tpu.sem_alloc : memref<!tpu.dma_semaphore, #tpu.memory_space<semaphore_mem>>
        %dma_start3A_50 = arith.constant 0 : i32
        %dma_start3A_51 = tpu.memref_slice %arg8[%scan3A_39, %dma_start3A_50] : memref<79x128xi32, #tpu.memory_space<vmem>> -> memref<1x128xi32, #tpu.memory_space<vmem>>
        %dma_start3A_52 = tpu.memref_squeeze %dma_start3A_51 : memref<1x128xi32, #tpu.memory_space<vmem>> -> memref<128xi32, #tpu.memory_space<vmem>>
        %dma_start3A_53 = arith.constant 0 : i32
        %dma_start3A_54 = arith.constant 0 : i32
        %dma_start3A_55 = tpu.memref_slice %arg11[%dma_start3A_53, %dma_start3A_54] : memref<10112x128xf32, #tpu.memory_space<vmem_shared>> -> memref<10112x128xf32, #tpu.memory_space<vmem_shared>>
        tpu.enqueue_indirect_dma source(%arg9 : memref<128x128xf32, #tpu.memory_space<vmem>>) target(%dma_start3A_55 : memref<10112x128xf32, #tpu.memory_space<vmem_shared>>) offsets(%dma_start3A_52 : memref<128xi32, #tpu.memory_space<vmem>>) semaphore(%run_scoped3A : memref<!tpu.dma_semaphore, #tpu.memory_space<semaphore_mem>>) {add = true}
        %dma_wait3A_56 = arith.constant 0 : i32
        %dma_wait3A_57 = tpu.memref_slice %arg8[%scan3A_39, %dma_wait3A_56] : memref<79x128xi32, #tpu.memory_space<vmem>> -> memref<1x128xi32, #tpu.memory_space<vmem>>
        %dma_wait3A_58 = tpu.memref_squeeze %dma_wait3A_57 : memref<1x128xi32, #tpu.memory_space<vmem>> -> memref<128xi32, #tpu.memory_space<vmem>>
        %dma_wait3A_59 = arith.constant 0 : i32
        %dma_wait3A_60 = arith.constant 0 : i32
        %dma_wait3A_61 = tpu.memref_slice %arg11[%dma_wait3A_59, %dma_wait3A_60] : memref<10112x128xf32, #tpu.memory_space<vmem_shared>> -> memref<10112x128xf32, #tpu.memory_space<vmem_shared>>
        tpu.wait_indirect_dma semaphore(%run_scoped3A : memref<!tpu.dma_semaphore, #tpu.memory_space<semaphore_mem>>) src(%arg9 : memref<128x128xf32, #tpu.memory_space<vmem>>) dst(%dma_wait3A_61 : memref<10112x128xf32, #tpu.memory_space<vmem_shared>>)
        tpu.yield
      }) : () -> ()
    }
    %scan3A_17 = arith.constant 79 : i32
    %barrier3A_18 = arith.constant 0 : index
    tpu.barrier barrier_id(%barrier3A_18)
    %add3A_19 = arith.constant 0 : i32
    %add3A_20 = arith.addi %mul3A_2, %add3A_19 : i32
    "tpu.region"() ({
      %run_scoped3A = tpu.sem_alloc : memref<!tpu.dma_semaphore, #tpu.memory_space<semaphore_mem>>
      %dma_start3A = arith.constant 0 : i32
      %dma_start3A_39 = arith.constant 0 : i32
      %dma_start3A_40 = tpu.memref_slice %arg9[%dma_start3A, %dma_start3A_39] : memref<128x128xf32, #tpu.memory_space<vmem>> -> memref<128x128xf32, #tpu.memory_space<vmem>>
      %dma_start3A_41 = arith.constant 0 : i32
      %dma_start3A_42 = tpu.memref_slice %arg11[%add3A_20, %dma_start3A_41] : memref<10112x128xf32, #tpu.memory_space<vmem_shared>> -> memref<128x128xf32, #tpu.memory_space<vmem_shared>>
      %dma_start3A_43 = arith.constant 0 : i32
      %dma_start3A_44 = arith.constant 0 : i32
      %dma_start3A_45 = tpu.memref_slice %arg9[%dma_start3A_43, %dma_start3A_44] : memref<128x128xf32, #tpu.memory_space<vmem>> -> memref<128x128xf32, #tpu.memory_space<vmem>>
      %dma_start3A_46 = arith.constant 0 : i32
      %dma_start3A_47 = tpu.memref_slice %arg11[%add3A_20, %dma_start3A_46] : memref<10112x128xf32, #tpu.memory_space<vmem_shared>> -> memref<128x128xf32, #tpu.memory_space<vmem_shared>>
      tpu.enqueue_dma source(%dma_start3A_47 : memref<128x128xf32, #tpu.memory_space<vmem_shared>>) target(%dma_start3A_45 : memref<128x128xf32, #tpu.memory_space<vmem>>) target_semaphore(%run_scoped3A : memref<!tpu.dma_semaphore, #tpu.memory_space<semaphore_mem>>)
      %dma_wait3A = arith.constant 0 : i32
      %dma_wait3A_48 = arith.constant 0 : i32
      %dma_wait3A_49 = tpu.memref_slice %arg9[%dma_wait3A, %dma_wait3A_48] : memref<128x128xf32, #tpu.memory_space<vmem>> -> memref<128x128xf32, #tpu.memory_space<vmem>>
      %dma_wait3A_50 = arith.constant 0 : i32
      %dma_wait3A_51 = tpu.memref_slice %arg11[%add3A_20, %dma_wait3A_50] : memref<10112x128xf32, #tpu.memory_space<vmem_shared>> -> memref<128x128xf32, #tpu.memory_space<vmem_shared>>
      %dma_wait3A_52 = arith.constant 0 : i32
      %dma_wait3A_53 = arith.constant 0 : i32
      %dma_wait3A_54 = tpu.memref_slice %arg9[%dma_wait3A_52, %dma_wait3A_53] : memref<128x128xf32, #tpu.memory_space<vmem>> -> memref<128x128xf32, #tpu.memory_space<vmem>>
      %dma_wait3A_55 = arith.constant 0 : i32
      %dma_wait3A_56 = tpu.memref_slice %arg11[%add3A_20, %dma_wait3A_55] : memref<10112x128xf32, #tpu.memory_space<vmem_shared>> -> memref<128x128xf32, #tpu.memory_space<vmem_shared>>
      tpu.wait_dma2 semaphore(%run_scoped3A : memref<!tpu.dma_semaphore, #tpu.memory_space<semaphore_mem>>) src(%dma_wait3A_56 : memref<128x128xf32, #tpu.memory_space<vmem_shared>>) dst(%dma_wait3A_54 : memref<128x128xf32, #tpu.memory_space<vmem>>)
      tpu.yield
    }) : () -> ()
    %add3A_21 = arith.constant 0 : i32
    %add3A_22 = arith.addi %mul3A_2, %add3A_21 : i32
    "tpu.region"() ({
      %run_scoped3A = tpu.sem_alloc : memref<!tpu.dma_semaphore, #tpu.memory_space<semaphore_mem>>
      %dma_start3A = arith.constant 0 : i32
      %dma_start3A_39 = arith.constant 0 : i32
      %dma_start3A_40 = tpu.memref_slice %arg9[%dma_start3A, %dma_start3A_39] : memref<128x128xf32, #tpu.memory_space<vmem>> -> memref<128x128xf32, #tpu.memory_space<vmem>>
      %dma_start3A_41 = arith.constant 0 : i32
      %dma_start3A_42 = tpu.memref_slice %arg6[%arg0, %add3A_22, %dma_start3A_41] : memref<2x10112x128xf32, #tpu.memory_space<hbm>> -> memref<1x128x128xf32, #tpu.memory_space<hbm>>
      %dma_start3A_43 = tpu.memref_squeeze %dma_start3A_42 : memref<1x128x128xf32, #tpu.memory_space<hbm>> -> memref<128x128xf32, #tpu.memory_space<hbm>>
      %dma_start3A_44 = arith.constant 0 : i32
      %dma_start3A_45 = tpu.memref_slice %arg6[%arg0, %add3A_22, %dma_start3A_44] : memref<2x10112x128xf32, #tpu.memory_space<hbm>> -> memref<1x128x128xf32, #tpu.memory_space<hbm>>
      %dma_start3A_46 = tpu.memref_squeeze %dma_start3A_45 : memref<1x128x128xf32, #tpu.memory_space<hbm>> -> memref<128x128xf32, #tpu.memory_space<hbm>>
      %dma_start3A_47 = arith.constant 0 : i32
      %dma_start3A_48 = arith.constant 0 : i32
      %dma_start3A_49 = tpu.memref_slice %arg9[%dma_start3A_47, %dma_start3A_48] : memref<128x128xf32, #tpu.memory_space<vmem>> -> memref<128x128xf32, #tpu.memory_space<vmem>>
      tpu.enqueue_dma source(%dma_start3A_49 : memref<128x128xf32, #tpu.memory_space<vmem>>) target(%dma_start3A_46 : memref<128x128xf32, #tpu.memory_space<hbm>>) target_semaphore(%run_scoped3A : memref<!tpu.dma_semaphore, #tpu.memory_space<semaphore_mem>>)
      %dma_wait3A = arith.constant 0 : i32
      %dma_wait3A_50 = arith.constant 0 : i32
      %dma_wait3A_51 = tpu.memref_slice %arg9[%dma_wait3A, %dma_wait3A_50] : memref<128x128xf32, #tpu.memory_space<vmem>> -> memref<128x128xf32, #tpu.memory_space<vmem>>
      %dma_wait3A_52 = arith.constant 0 : i32
      %dma_wait3A_53 = tpu.memref_slice %arg6[%arg0, %add3A_22, %dma_wait3A_52] : memref<2x10112x128xf32, #tpu.memory_space<hbm>> -> memref<1x128x128xf32, #tpu.memory_space<hbm>>
      %dma_wait3A_54 = tpu.memref_squeeze %dma_wait3A_53 : memref<1x128x128xf32, #tpu.memory_space<hbm>> -> memref<128x128xf32, #tpu.memory_space<hbm>>
      %dma_wait3A_55 = arith.constant 0 : i32
      %dma_wait3A_56 = tpu.memref_slice %arg6[%arg0, %add3A_22, %dma_wait3A_55] : memref<2x10112x128xf32, #tpu.memory_space<hbm>> -> memref<1x128x128xf32, #tpu.memory_space<hbm>>
      %dma_wait3A_57 = tpu.memref_squeeze %dma_wait3A_56 : memref<1x128x128xf32, #tpu.memory_space<hbm>> -> memref<128x128xf32, #tpu.memory_space<hbm>>
      %dma_wait3A_58 = arith.constant 0 : i32
      %dma_wait3A_59 = arith.constant 0 : i32
      %dma_wait3A_60 = tpu.memref_slice %arg9[%dma_wait3A_58, %dma_wait3A_59] : memref<128x128xf32, #tpu.memory_space<vmem>> -> memref<128x128xf32, #tpu.memory_space<vmem>>
      tpu.wait_dma2 semaphore(%run_scoped3A : memref<!tpu.dma_semaphore, #tpu.memory_space<semaphore_mem>>) src(%dma_wait3A_60 : memref<128x128xf32, #tpu.memory_space<vmem>>) dst(%dma_wait3A_57 : memref<128x128xf32, #tpu.memory_space<hbm>>)
      tpu.yield
    }) : () -> ()
    %add3A_23 = arith.constant 128 : i32
    %add3A_24 = arith.addi %mul3A_2, %add3A_23 : i32
    "tpu.region"() ({
      %run_scoped3A = tpu.sem_alloc : memref<!tpu.dma_semaphore, #tpu.memory_space<semaphore_mem>>
      %dma_start3A = arith.constant 0 : i32
      %dma_start3A_39 = arith.constant 0 : i32
      %dma_start3A_40 = tpu.memref_slice %arg9[%dma_start3A, %dma_start3A_39] : memref<128x128xf32, #tpu.memory_space<vmem>> -> memref<128x128xf32, #tpu.memory_space<vmem>>
      %dma_start3A_41 = arith.constant 0 : i32
      %dma_start3A_42 = tpu.memref_slice %arg11[%add3A_24, %dma_start3A_41] : memref<10112x128xf32, #tpu.memory_space<vmem_shared>> -> memref<128x128xf32, #tpu.memory_space<vmem_shared>>
      %dma_start3A_43 = arith.constant 0 : i32
      %dma_start3A_44 = arith.constant 0 : i32
      %dma_start3A_45 = tpu.memref_slice %arg9[%dma_start3A_43, %dma_start3A_44] : memref<128x128xf32, #tpu.memory_space<vmem>> -> memref<128x128xf32, #tpu.memory_space<vmem>>
      %dma_start3A_46 = arith.constant 0 : i32
      %dma_start3A_47 = tpu.memref_slice %arg11[%add3A_24, %dma_start3A_46] : memref<10112x128xf32, #tpu.memory_space<vmem_shared>> -> memref<128x128xf32, #tpu.memory_space<vmem_shared>>
      tpu.enqueue_dma source(%dma_start3A_47 : memref<128x128xf32, #tpu.memory_space<vmem_shared>>) target(%dma_start3A_45 : memref<128x128xf32, #tpu.memory_space<vmem>>) target_semaphore(%run_scoped3A : memref<!tpu.dma_semaphore, #tpu.memory_space<semaphore_mem>>)
      %dma_wait3A = arith.constant 0 : i32
      %dma_wait3A_48 = arith.constant 0 : i32
      %dma_wait3A_49 = tpu.memref_slice %arg9[%dma_wait3A, %dma_wait3A_48] : memref<128x128xf32, #tpu.memory_space<vmem>> -> memref<128x128xf32, #tpu.memory_space<vmem>>
      %dma_wait3A_50 = arith.constant 0 : i32
      %dma_wait3A_51 = tpu.memref_slice %arg11[%add3A_24, %dma_wait3A_50] : memref<10112x128xf32, #tpu.memory_space<vmem_shared>> -> memref<128x128xf32, #tpu.memory_space<vmem_shared>>
      %dma_wait3A_52 = arith.constant 0 : i32
      %dma_wait3A_53 = arith.constant 0 : i32
      %dma_wait3A_54 = tpu.memref_slice %arg9[%dma_wait3A_52, %dma_wait3A_53] : memref<128x128xf32, #tpu.memory_space<vmem>> -> memref<128x128xf32, #tpu.memory_space<vmem>>
      %dma_wait3A_55 = arith.constant 0 : i32
      %dma_wait3A_56 = tpu.memref_slice %arg11[%add3A_24, %dma_wait3A_55] : memref<10112x128xf32, #tpu.memory_space<vmem_shared>> -> memref<128x128xf32, #tpu.memory_space<vmem_shared>>
      tpu.wait_dma2 semaphore(%run_scoped3A : memref<!tpu.dma_semaphore, #tpu.memory_space<semaphore_mem>>) src(%dma_wait3A_56 : memref<128x128xf32, #tpu.memory_space<vmem_shared>>) dst(%dma_wait3A_54 : memref<128x128xf32, #tpu.memory_space<vmem>>)
      tpu.yield
    }) : () -> ()
    %add3A_25 = arith.constant 128 : i32
    %add3A_26 = arith.addi %mul3A_2, %add3A_25 : i32
    "tpu.region"() ({
      %run_scoped3A = tpu.sem_alloc : memref<!tpu.dma_semaphore, #tpu.memory_space<semaphore_mem>>
      %dma_start3A = arith.constant 0 : i32
      %dma_start3A_39 = arith.constant 0 : i32
      %dma_start3A_40 = tpu.memref_slice %arg9[%dma_start3A, %dma_start3A_39] : memref<128x128xf32, #tpu.memory_space<vmem>> -> memref<128x128xf32, #tpu.memory_space<vmem>>
      %dma_start3A_41 = arith.constant 0 : i32
      %dma_start3A_42 = tpu.memref_slice %arg6[%arg0, %add3A_26, %dma_start3A_41] : memref<2x10112x128xf32, #tpu.memory_space<hbm>> -> memref<1x128x128xf32, #tpu.memory_space<hbm>>
      %dma_start3A_43 = tpu.memref_squeeze %dma_start3A_42 : memref<1x128x128xf32, #tpu.memory_space<hbm>> -> memref<128x128xf32, #tpu.memory_space<hbm>>
      %dma_start3A_44 = arith.constant 0 : i32
      %dma_start3A_45 = tpu.memref_slice %arg6[%arg0, %add3A_26, %dma_start3A_44] : memref<2x10112x128xf32, #tpu.memory_space<hbm>> -> memref<1x128x128xf32, #tpu.memory_space<hbm>>
      %dma_start3A_46 = tpu.memref_squeeze %dma_start3A_45 : memref<1x128x128xf32, #tpu.memory_space<hbm>> -> memref<128x128xf32, #tpu.memory_space<hbm>>
      %dma_start3A_47 = arith.constant 0 : i32
      %dma_start3A_48 = arith.constant 0 : i32
      %dma_start3A_49 = tpu.memref_slice %arg9[%dma_start3A_47, %dma_start3A_48] : memref<128x128xf32, #tpu.memory_space<vmem>> -> memref<128x128xf32, #tpu.memory_space<vmem>>
      tpu.enqueue_dma source(%dma_start3A_49 : memref<128x128xf32, #tpu.memory_space<vmem>>) target(%dma_start3A_46 : memref<128x128xf32, #tpu.memory_space<hbm>>) target_semaphore(%run_scoped3A : memref<!tpu.dma_semaphore, #tpu.memory_space<semaphore_mem>>)
      %dma_wait3A = arith.constant 0 : i32
      %dma_wait3A_50 = arith.constant 0 : i32
      %dma_wait3A_51 = tpu.memref_slice %arg9[%dma_wait3A, %dma_wait3A_50] : memref<128x128xf32, #tpu.memory_space<vmem>> -> memref<128x128xf32, #tpu.memory_space<vmem>>
      %dma_wait3A_52 = arith.constant 0 : i32
      %dma_wait3A_53 = tpu.memref_slice %arg6[%arg0, %add3A_26, %dma_wait3A_52] : memref<2x10112x128xf32, #tpu.memory_space<hbm>> -> memref<1x128x128xf32, #tpu.memory_space<hbm>>
      %dma_wait3A_54 = tpu.memref_squeeze %dma_wait3A_53 : memref<1x128x128xf32, #tpu.memory_space<hbm>> -> memref<128x128xf32, #tpu.memory_space<hbm>>
      %dma_wait3A_55 = arith.constant 0 : i32
      %dma_wait3A_56 = tpu.memref_slice %arg6[%arg0, %add3A_26, %dma_wait3A_55] : memref<2x10112x128xf32, #tpu.memory_space<hbm>> -> memref<1x128x128xf32, #tpu.memory_space<hbm>>
      %dma_wait3A_57 = tpu.memref_squeeze %dma_wait3A_56 : memref<1x128x128xf32, #tpu.memory_space<hbm>> -> memref<128x128xf32, #tpu.memory_space<hbm>>
      %dma_wait3A_58 = arith.constant 0 : i32
      %dma_wait3A_59 = arith.constant 0 : i32
      %dma_wait3A_60 = tpu.memref_slice %arg9[%dma_wait3A_58, %dma_wait3A_59] : memref<128x128xf32, #tpu.memory_space<vmem>> -> memref<128x128xf32, #tpu.memory_space<vmem>>
      tpu.wait_dma2 semaphore(%run_scoped3A : memref<!tpu.dma_semaphore, #tpu.memory_space<semaphore_mem>>) src(%dma_wait3A_60 : memref<128x128xf32, #tpu.memory_space<vmem>>) dst(%dma_wait3A_57 : memref<128x128xf32, #tpu.memory_space<hbm>>)
      tpu.yield
    }) : () -> ()
    %add3A_27 = arith.constant 256 : i32
    %add3A_28 = arith.addi %mul3A_2, %add3A_27 : i32
    "tpu.region"() ({
      %run_scoped3A = tpu.sem_alloc : memref<!tpu.dma_semaphore, #tpu.memory_space<semaphore_mem>>
      %dma_start3A = arith.constant 0 : i32
      %dma_start3A_39 = arith.constant 0 : i32
      %dma_start3A_40 = tpu.memref_slice %arg9[%dma_start3A, %dma_start3A_39] : memref<128x128xf32, #tpu.memory_space<vmem>> -> memref<128x128xf32, #tpu.memory_space<vmem>>
      %dma_start3A_41 = arith.constant 0 : i32
      %dma_start3A_42 = tpu.memref_slice %arg11[%add3A_28, %dma_start3A_41] : memref<10112x128xf32, #tpu.memory_space<vmem_shared>> -> memref<128x128xf32, #tpu.memory_space<vmem_shared>>
      %dma_start3A_43 = arith.constant 0 : i32
      %dma_start3A_44 = arith.constant 0 : i32
      %dma_start3A_45 = tpu.memref_slice %arg9[%dma_start3A_43, %dma_start3A_44] : memref<128x128xf32, #tpu.memory_space<vmem>> -> memref<128x128xf32, #tpu.memory_space<vmem>>
      %dma_start3A_46 = arith.constant 0 : i32
      %dma_start3A_47 = tpu.memref_slice %arg11[%add3A_28, %dma_start3A_46] : memref<10112x128xf32, #tpu.memory_space<vmem_shared>> -> memref<128x128xf32, #tpu.memory_space<vmem_shared>>
      tpu.enqueue_dma source(%dma_start3A_47 : memref<128x128xf32, #tpu.memory_space<vmem_shared>>) target(%dma_start3A_45 : memref<128x128xf32, #tpu.memory_space<vmem>>) target_semaphore(%run_scoped3A : memref<!tpu.dma_semaphore, #tpu.memory_space<semaphore_mem>>)
      %dma_wait3A = arith.constant 0 : i32
      %dma_wait3A_48 = arith.constant 0 : i32
      %dma_wait3A_49 = tpu.memref_slice %arg9[%dma_wait3A, %dma_wait3A_48] : memref<128x128xf32, #tpu.memory_space<vmem>> -> memref<128x128xf32, #tpu.memory_space<vmem>>
      %dma_wait3A_50 = arith.constant 0 : i32
      %dma_wait3A_51 = tpu.memref_slice %arg11[%add3A_28, %dma_wait3A_50] : memref<10112x128xf32, #tpu.memory_space<vmem_shared>> -> memref<128x128xf32, #tpu.memory_space<vmem_shared>>
      %dma_wait3A_52 = arith.constant 0 : i32
      %dma_wait3A_53 = arith.constant 0 : i32
      %dma_wait3A_54 = tpu.memref_slice %arg9[%dma_wait3A_52, %dma_wait3A_53] : memref<128x128xf32, #tpu.memory_space<vmem>> -> memref<128x128xf32, #tpu.memory_space<vmem>>
      %dma_wait3A_55 = arith.constant 0 : i32
      %dma_wait3A_56 = tpu.memref_slice %arg11[%add3A_28, %dma_wait3A_55] : memref<10112x128xf32, #tpu.memory_space<vmem_shared>> -> memref<128x128xf32, #tpu.memory_space<vmem_shared>>
      tpu.wait_dma2 semaphore(%run_scoped3A : memref<!tpu.dma_semaphore, #tpu.memory_space<semaphore_mem>>) src(%dma_wait3A_56 : memref<128x128xf32, #tpu.memory_space<vmem_shared>>) dst(%dma_wait3A_54 : memref<128x128xf32, #tpu.memory_space<vmem>>)
      tpu.yield
    }) : () -> ()
    %add3A_29 = arith.constant 256 : i32
    %add3A_30 = arith.addi %mul3A_2, %add3A_29 : i32
    "tpu.region"() ({
      %run_scoped3A = tpu.sem_alloc : memref<!tpu.dma_semaphore, #tpu.memory_space<semaphore_mem>>
      %dma_start3A = arith.constant 0 : i32
      %dma_start3A_39 = arith.constant 0 : i32
      %dma_start3A_40 = tpu.memref_slice %arg9[%dma_start3A, %dma_start3A_39] : memref<128x128xf32, #tpu.memory_space<vmem>> -> memref<128x128xf32, #tpu.memory_space<vmem>>
      %dma_start3A_41 = arith.constant 0 : i32
      %dma_start3A_42 = tpu.memref_slice %arg6[%arg0, %add3A_30, %dma_start3A_41] : memref<2x10112x128xf32, #tpu.memory_space<hbm>> -> memref<1x128x128xf32, #tpu.memory_space<hbm>>
      %dma_start3A_43 = tpu.memref_squeeze %dma_start3A_42 : memref<1x128x128xf32, #tpu.memory_space<hbm>> -> memref<128x128xf32, #tpu.memory_space<hbm>>
      %dma_start3A_44 = arith.constant 0 : i32
      %dma_start3A_45 = tpu.memref_slice %arg6[%arg0, %add3A_30, %dma_start3A_44] : memref<2x10112x128xf32, #tpu.memory_space<hbm>> -> memref<1x128x128xf32, #tpu.memory_space<hbm>>
      %dma_start3A_46 = tpu.memref_squeeze %dma_start3A_45 : memref<1x128x128xf32, #tpu.memory_space<hbm>> -> memref<128x128xf32, #tpu.memory_space<hbm>>
      %dma_start3A_47 = arith.constant 0 : i32
      %dma_start3A_48 = arith.constant 0 : i32
      %dma_start3A_49 = tpu.memref_slice %arg9[%dma_start3A_47, %dma_start3A_48] : memref<128x128xf32, #tpu.memory_space<vmem>> -> memref<128x128xf32, #tpu.memory_space<vmem>>
      tpu.enqueue_dma source(%dma_start3A_49 : memref<128x128xf32, #tpu.memory_space<vmem>>) target(%dma_start3A_46 : memref<128x128xf32, #tpu.memory_space<hbm>>) target_semaphore(%run_scoped3A : memref<!tpu.dma_semaphore, #tpu.memory_space<semaphore_mem>>)
      %dma_wait3A = arith.constant 0 : i32
      %dma_wait3A_50 = arith.constant 0 : i32
      %dma_wait3A_51 = tpu.memref_slice %arg9[%dma_wait3A, %dma_wait3A_50] : memref<128x128xf32, #tpu.memory_space<vmem>> -> memref<128x128xf32, #tpu.memory_space<vmem>>
      %dma_wait3A_52 = arith.constant 0 : i32
      %dma_wait3A_53 = tpu.memref_slice %arg6[%arg0, %add3A_30, %dma_wait3A_52] : memref<2x10112x128xf32, #tpu.memory_space<hbm>> -> memref<1x128x128xf32, #tpu.memory_space<hbm>>
      %dma_wait3A_54 = tpu.memref_squeeze %dma_wait3A_53 : memref<1x128x128xf32, #tpu.memory_space<hbm>> -> memref<128x128xf32, #tpu.memory_space<hbm>>
      %dma_wait3A_55 = arith.constant 0 : i32
      %dma_wait3A_56 = tpu.memref_slice %arg6[%arg0, %add3A_30, %dma_wait3A_55] : memref<2x10112x128xf32, #tpu.memory_space<hbm>> -> memref<1x128x128xf32, #tpu.memory_space<hbm>>
      %dma_wait3A_57 = tpu.memref_squeeze %dma_wait3A_56 : memref<1x128x128xf32, #tpu.memory_space<hbm>> -> memref<128x128xf32, #tpu.memory_space<hbm>>
      %dma_wait3A_58 = arith.constant 0 : i32
      %dma_wait3A_59 = arith.constant 0 : i32
      %dma_wait3A_60 = tpu.memref_slice %arg9[%dma_wait3A_58, %dma_wait3A_59] : memref<128x128xf32, #tpu.memory_space<vmem>> -> memref<128x128xf32, #tpu.memory_space<vmem>>
      tpu.wait_dma2 semaphore(%run_scoped3A : memref<!tpu.dma_semaphore, #tpu.memory_space<semaphore_mem>>) src(%dma_wait3A_60 : memref<128x128xf32, #tpu.memory_space<vmem>>) dst(%dma_wait3A_57 : memref<128x128xf32, #tpu.memory_space<hbm>>)
      tpu.yield
    }) : () -> ()
    %add3A_31 = arith.constant 384 : i32
    %add3A_32 = arith.addi %mul3A_2, %add3A_31 : i32
    "tpu.region"() ({
      %run_scoped3A = tpu.sem_alloc : memref<!tpu.dma_semaphore, #tpu.memory_space<semaphore_mem>>
      %dma_start3A = arith.constant 0 : i32
      %dma_start3A_39 = arith.constant 0 : i32
      %dma_start3A_40 = tpu.memref_slice %arg9[%dma_start3A, %dma_start3A_39] : memref<128x128xf32, #tpu.memory_space<vmem>> -> memref<128x128xf32, #tpu.memory_space<vmem>>
      %dma_start3A_41 = arith.constant 0 : i32
      %dma_start3A_42 = tpu.memref_slice %arg11[%add3A_32, %dma_start3A_41] : memref<10112x128xf32, #tpu.memory_space<vmem_shared>> -> memref<128x128xf32, #tpu.memory_space<vmem_shared>>
      %dma_start3A_43 = arith.constant 0 : i32
      %dma_start3A_44 = arith.constant 0 : i32
      %dma_start3A_45 = tpu.memref_slice %arg9[%dma_start3A_43, %dma_start3A_44] : memref<128x128xf32, #tpu.memory_space<vmem>> -> memref<128x128xf32, #tpu.memory_space<vmem>>
      %dma_start3A_46 = arith.constant 0 : i32
      %dma_start3A_47 = tpu.memref_slice %arg11[%add3A_32, %dma_start3A_46] : memref<10112x128xf32, #tpu.memory_space<vmem_shared>> -> memref<128x128xf32, #tpu.memory_space<vmem_shared>>
      tpu.enqueue_dma source(%dma_start3A_47 : memref<128x128xf32, #tpu.memory_space<vmem_shared>>) target(%dma_start3A_45 : memref<128x128xf32, #tpu.memory_space<vmem>>) target_semaphore(%run_scoped3A : memref<!tpu.dma_semaphore, #tpu.memory_space<semaphore_mem>>)
      %dma_wait3A = arith.constant 0 : i32
      %dma_wait3A_48 = arith.constant 0 : i32
      %dma_wait3A_49 = tpu.memref_slice %arg9[%dma_wait3A, %dma_wait3A_48] : memref<128x128xf32, #tpu.memory_space<vmem>> -> memref<128x128xf32, #tpu.memory_space<vmem>>
      %dma_wait3A_50 = arith.constant 0 : i32
      %dma_wait3A_51 = tpu.memref_slice %arg11[%add3A_32, %dma_wait3A_50] : memref<10112x128xf32, #tpu.memory_space<vmem_shared>> -> memref<128x128xf32, #tpu.memory_space<vmem_shared>>
      %dma_wait3A_52 = arith.constant 0 : i32
      %dma_wait3A_53 = arith.constant 0 : i32
      %dma_wait3A_54 = tpu.memref_slice %arg9[%dma_wait3A_52, %dma_wait3A_53] : memref<128x128xf32, #tpu.memory_space<vmem>> -> memref<128x128xf32, #tpu.memory_space<vmem>>
      %dma_wait3A_55 = arith.constant 0 : i32
      %dma_wait3A_56 = tpu.memref_slice %arg11[%add3A_32, %dma_wait3A_55] : memref<10112x128xf32, #tpu.memory_space<vmem_shared>> -> memref<128x128xf32, #tpu.memory_space<vmem_shared>>
      tpu.wait_dma2 semaphore(%run_scoped3A : memref<!tpu.dma_semaphore, #tpu.memory_space<semaphore_mem>>) src(%dma_wait3A_56 : memref<128x128xf32, #tpu.memory_space<vmem_shared>>) dst(%dma_wait3A_54 : memref<128x128xf32, #tpu.memory_space<vmem>>)
      tpu.yield
    }) : () -> ()
    %add3A_33 = arith.constant 384 : i32
    %add3A_34 = arith.addi %mul3A_2, %add3A_33 : i32
    "tpu.region"() ({
      %run_scoped3A = tpu.sem_alloc : memref<!tpu.dma_semaphore, #tpu.memory_space<semaphore_mem>>
      %dma_start3A = arith.constant 0 : i32
      %dma_start3A_39 = arith.constant 0 : i32
      %dma_start3A_40 = tpu.memref_slice %arg9[%dma_start3A, %dma_start3A_39] : memref<128x128xf32, #tpu.memory_space<vmem>> -> memref<128x128xf32, #tpu.memory_space<vmem>>
      %dma_start3A_41 = arith.constant 0 : i32
      %dma_start3A_42 = tpu.memref_slice %arg6[%arg0, %add3A_34, %dma_start3A_41] : memref<2x10112x128xf32, #tpu.memory_space<hbm>> -> memref<1x128x128xf32, #tpu.memory_space<hbm>>
      %dma_start3A_43 = tpu.memref_squeeze %dma_start3A_42 : memref<1x128x128xf32, #tpu.memory_space<hbm>> -> memref<128x128xf32, #tpu.memory_space<hbm>>
      %dma_start3A_44 = arith.constant 0 : i32
      %dma_start3A_45 = tpu.memref_slice %arg6[%arg0, %add3A_34, %dma_start3A_44] : memref<2x10112x128xf32, #tpu.memory_space<hbm>> -> memref<1x128x128xf32, #tpu.memory_space<hbm>>
      %dma_start3A_46 = tpu.memref_squeeze %dma_start3A_45 : memref<1x128x128xf32, #tpu.memory_space<hbm>> -> memref<128x128xf32, #tpu.memory_space<hbm>>
      %dma_start3A_47 = arith.constant 0 : i32
      %dma_start3A_48 = arith.constant 0 : i32
      %dma_start3A_49 = tpu.memref_slice %arg9[%dma_start3A_47, %dma_start3A_48] : memref<128x128xf32, #tpu.memory_space<vmem>> -> memref<128x128xf32, #tpu.memory_space<vmem>>
      tpu.enqueue_dma source(%dma_start3A_49 : memref<128x128xf32, #tpu.memory_space<vmem>>) target(%dma_start3A_46 : memref<128x128xf32, #tpu.memory_space<hbm>>) target_semaphore(%run_scoped3A : memref<!tpu.dma_semaphore, #tpu.memory_space<semaphore_mem>>)
      %dma_wait3A = arith.constant 0 : i32
      %dma_wait3A_50 = arith.constant 0 : i32
      %dma_wait3A_51 = tpu.memref_slice %arg9[%dma_wait3A, %dma_wait3A_50] : memref<128x128xf32, #tpu.memory_space<vmem>> -> memref<128x128xf32, #tpu.memory_space<vmem>>
      %dma_wait3A_52 = arith.constant 0 : i32
      %dma_wait3A_53 = tpu.memref_slice %arg6[%arg0, %add3A_34, %dma_wait3A_52] : memref<2x10112x128xf32, #tpu.memory_space<hbm>> -> memref<1x128x128xf32, #tpu.memory_space<hbm>>
      %dma_wait3A_54 = tpu.memref_squeeze %dma_wait3A_53 : memref<1x128x128xf32, #tpu.memory_space<hbm>> -> memref<128x128xf32, #tpu.memory_space<hbm>>
      %dma_wait3A_55 = arith.constant 0 : i32
      %dma_wait3A_56 = tpu.memref_slice %arg6[%arg0, %add3A_34, %dma_wait3A_55] : memref<2x10112x128xf32, #tpu.memory_space<hbm>> -> memref<1x128x128xf32, #tpu.memory_space<hbm>>
      %dma_wait3A_57 = tpu.memref_squeeze %dma_wait3A_56 : memref<1x128x128xf32, #tpu.memory_space<hbm>> -> memref<128x128xf32, #tpu.memory_space<hbm>>
      %dma_wait3A_58 = arith.constant 0 : i32
      %dma_wait3A_59 = arith.constant 0 : i32
      %dma_wait3A_60 = tpu.memref_slice %arg9[%dma_wait3A_58, %dma_wait3A_59] : memref<128x128xf32, #tpu.memory_space<vmem>> -> memref<128x128xf32, #tpu.memory_space<vmem>>
      tpu.wait_dma2 semaphore(%run_scoped3A : memref<!tpu.dma_semaphore, #tpu.memory_space<semaphore_mem>>) src(%dma_wait3A_60 : memref<128x128xf32, #tpu.memory_space<vmem>>) dst(%dma_wait3A_57 : memref<128x128xf32, #tpu.memory_space<hbm>>)
      tpu.yield
    }) : () -> ()
    %add3A_35 = arith.constant 512 : i32
    %add3A_36 = arith.addi %mul3A_2, %add3A_35 : i32
    "tpu.region"() ({
      %run_scoped3A = tpu.sem_alloc : memref<!tpu.dma_semaphore, #tpu.memory_space<semaphore_mem>>
      %dma_start3A = arith.constant 0 : i32
      %dma_start3A_39 = arith.constant 0 : i32
      %dma_start3A_40 = tpu.memref_slice %arg9[%dma_start3A, %dma_start3A_39] : memref<128x128xf32, #tpu.memory_space<vmem>> -> memref<120x128xf32, #tpu.memory_space<vmem>>
      %dma_start3A_41 = arith.constant 0 : i32
      %dma_start3A_42 = tpu.memref_slice %arg11[%add3A_36, %dma_start3A_41] : memref<10112x128xf32, #tpu.memory_space<vmem_shared>> -> memref<120x128xf32, #tpu.memory_space<vmem_shared>>
      %dma_start3A_43 = arith.constant 0 : i32
      %dma_start3A_44 = arith.constant 0 : i32
      %dma_start3A_45 = tpu.memref_slice %arg9[%dma_start3A_43, %dma_start3A_44] : memref<128x128xf32, #tpu.memory_space<vmem>> -> memref<120x128xf32, #tpu.memory_space<vmem>>
      %dma_start3A_46 = arith.constant 0 : i32
      %dma_start3A_47 = tpu.memref_slice %arg11[%add3A_36, %dma_start3A_46] : memref<10112x128xf32, #tpu.memory_space<vmem_shared>> -> memref<120x128xf32, #tpu.memory_space<vmem_shared>>
      tpu.enqueue_dma source(%dma_start3A_47 : memref<120x128xf32, #tpu.memory_space<vmem_shared>>) target(%dma_start3A_45 : memref<120x128xf32, #tpu.memory_space<vmem>>) target_semaphore(%run_scoped3A : memref<!tpu.dma_semaphore, #tpu.memory_space<semaphore_mem>>)
      %dma_wait3A = arith.constant 0 : i32
      %dma_wait3A_48 = arith.constant 0 : i32
      %dma_wait3A_49 = tpu.memref_slice %arg9[%dma_wait3A, %dma_wait3A_48] : memref<128x128xf32, #tpu.memory_space<vmem>> -> memref<120x128xf32, #tpu.memory_space<vmem>>
      %dma_wait3A_50 = arith.constant 0 : i32
      %dma_wait3A_51 = tpu.memref_slice %arg11[%add3A_36, %dma_wait3A_50] : memref<10112x128xf32, #tpu.memory_space<vmem_shared>> -> memref<120x128xf32, #tpu.memory_space<vmem_shared>>
      %dma_wait3A_52 = arith.constant 0 : i32
      %dma_wait3A_53 = arith.constant 0 : i32
      %dma_wait3A_54 = tpu.memref_slice %arg9[%dma_wait3A_52, %dma_wait3A_53] : memref<128x128xf32, #tpu.memory_space<vmem>> -> memref<120x128xf32, #tpu.memory_space<vmem>>
      %dma_wait3A_55 = arith.constant 0 : i32
      %dma_wait3A_56 = tpu.memref_slice %arg11[%add3A_36, %dma_wait3A_55] : memref<10112x128xf32, #tpu.memory_space<vmem_shared>> -> memref<120x128xf32, #tpu.memory_space<vmem_shared>>
      tpu.wait_dma2 semaphore(%run_scoped3A : memref<!tpu.dma_semaphore, #tpu.memory_space<semaphore_mem>>) src(%dma_wait3A_56 : memref<120x128xf32, #tpu.memory_space<vmem_shared>>) dst(%dma_wait3A_54 : memref<120x128xf32, #tpu.memory_space<vmem>>)
      tpu.yield
    }) : () -> ()
    %add3A_37 = arith.constant 512 : i32
    %add3A_38 = arith.addi %mul3A_2, %add3A_37 : i32
    "tpu.region"() ({
      %run_scoped3A = tpu.sem_alloc : memref<!tpu.dma_semaphore, #tpu.memory_space<semaphore_mem>>
      %dma_start3A = arith.constant 0 : i32
      %dma_start3A_39 = arith.constant 0 : i32
      %dma_start3A_40 = tpu.memref_slice %arg9[%dma_start3A, %dma_start3A_39] : memref<128x128xf32, #tpu.memory_space<vmem>> -> memref<120x128xf32, #tpu.memory_space<vmem>>
      %dma_start3A_41 = arith.constant 0 : i32
      %dma_start3A_42 = tpu.memref_slice %arg6[%arg0, %add3A_38, %dma_start3A_41] : memref<2x10112x128xf32, #tpu.memory_space<hbm>> -> memref<1x120x128xf32, #tpu.memory_space<hbm>>
      %dma_start3A_43 = tpu.memref_squeeze %dma_start3A_42 : memref<1x120x128xf32, #tpu.memory_space<hbm>> -> memref<120x128xf32, #tpu.memory_space<hbm>>
      %dma_start3A_44 = arith.constant 0 : i32
      %dma_start3A_45 = tpu.memref_slice %arg6[%arg0, %add3A_38, %dma_start3A_44] : memref<2x10112x128xf32, #tpu.memory_space<hbm>> -> memref<1x120x128xf32, #tpu.memory_space<hbm>>
      %dma_start3A_46 = tpu.memref_squeeze %dma_start3A_45 : memref<1x120x128xf32, #tpu.memory_space<hbm>> -> memref<120x128xf32, #tpu.memory_space<hbm>>
      %dma_start3A_47 = arith.constant 0 : i32
      %dma_start3A_48 = arith.constant 0 : i32
      %dma_start3A_49 = tpu.memref_slice %arg9[%dma_start3A_47, %dma_start3A_48] : memref<128x128xf32, #tpu.memory_space<vmem>> -> memref<120x128xf32, #tpu.memory_space<vmem>>
      tpu.enqueue_dma source(%dma_start3A_49 : memref<120x128xf32, #tpu.memory_space<vmem>>) target(%dma_start3A_46 : memref<120x128xf32, #tpu.memory_space<hbm>>) target_semaphore(%run_scoped3A : memref<!tpu.dma_semaphore, #tpu.memory_space<semaphore_mem>>)
      %dma_wait3A = arith.constant 0 : i32
      %dma_wait3A_50 = arith.constant 0 : i32
      %dma_wait3A_51 = tpu.memref_slice %arg9[%dma_wait3A, %dma_wait3A_50] : memref<128x128xf32, #tpu.memory_space<vmem>> -> memref<120x128xf32, #tpu.memory_space<vmem>>
      %dma_wait3A_52 = arith.constant 0 : i32
      %dma_wait3A_53 = tpu.memref_slice %arg6[%arg0, %add3A_38, %dma_wait3A_52] : memref<2x10112x128xf32, #tpu.memory_space<hbm>> -> memref<1x120x128xf32, #tpu.memory_space<hbm>>
      %dma_wait3A_54 = tpu.memref_squeeze %dma_wait3A_53 : memref<1x120x128xf32, #tpu.memory_space<hbm>> -> memref<120x128xf32, #tpu.memory_space<hbm>>
      %dma_wait3A_55 = arith.constant 0 : i32
      %dma_wait3A_56 = tpu.memref_slice %arg6[%arg0, %add3A_38, %dma_wait3A_55] : memref<2x10112x128xf32, #tpu.memory_space<hbm>> -> memref<1x120x128xf32, #tpu.memory_space<hbm>>
      %dma_wait3A_57 = tpu.memref_squeeze %dma_wait3A_56 : memref<1x120x128xf32, #tpu.memory_space<hbm>> -> memref<120x128xf32, #tpu.memory_space<hbm>>
      %dma_wait3A_58 = arith.constant 0 : i32
      %dma_wait3A_59 = arith.constant 0 : i32
      %dma_wait3A_60 = tpu.memref_slice %arg9[%dma_wait3A_58, %dma_wait3A_59] : memref<128x128xf32, #tpu.memory_space<vmem>> -> memref<120x128xf32, #tpu.memory_space<vmem>>
      tpu.wait_dma2 semaphore(%run_scoped3A : memref<!tpu.dma_semaphore, #tpu.memory_space<semaphore_mem>>) src(%dma_wait3A_60 : memref<120x128xf32, #tpu.memory_space<vmem>>) dst(%dma_wait3A_57 : memref<120x128xf32, #tpu.memory_space<hbm>>)
      tpu.yield
    }) : () -> ()
    return
  }
}

module attributes {stable_mosaic.version = 14 : i64} {
  func.func @body(%arg0: i32, %arg1: memref<1000x128xf32, #tpu.memory_space<vmem>>, %arg2: memref<1000x1xf32, #tpu.memory_space<vmem>>, %arg3: memref<1000x1xf32, #tpu.memory_space<vmem>>, %arg4: memref<128x128xf32, #tpu.memory_space<vmem>>, %arg5: memref<1000x128xf32, #tpu.memory_space<vmem>>) attributes {dimension_semantics = [#tpu.dimension_semantics<arbitrary>], iteration_bounds = array<i64: 10>, scalar_prefetch = 0 : i64, scratch_operands = 0 : i64, tpu.core_type = #tpu.core_type<tc>, window_params = [{transform_indices = @transform_0, window_bounds = array<i64: 1000, 128>}, {transform_indices = @transform_1, window_bounds = array<i64: 1000, 1>}, {transform_indices = @transform_2, window_bounds = array<i64: 1000, 1>}, {pipeline_mode = #tpu.pipeline_mode<synchronous>, transform_indices = @transform_3, window_bounds = array<i64: 128, 128>}, {transform_indices = @transform_4, window_bounds = array<i64: 1000, 128>}]} {
    %get3A = arith.constant 0 : index
    %get3A_0 = arith.constant 0 : index
    %get3A_1 = vector.load %arg2[%get3A, %get3A_0] : memref<1000x1xf32, #tpu.memory_space<vmem>>, vector<1000x1xf32>
    %get3A_2 = arith.constant 0 : index
    %get3A_3 = arith.constant 0 : index
    %get3A_4 = vector.load %arg3[%get3A_2, %get3A_3] : memref<1000x1xf32, #tpu.memory_space<vmem>>, vector<1000x1xf32>
    %add3A = arith.addf %get3A_1, %get3A_4 : vector<1000x1xf32>
    %rsqrt3A = math.rsqrt %add3A : vector<1000x1xf32>
    %get3A_5 = arith.constant 0 : index
    %get3A_6 = arith.constant 0 : index
    %get3A_7 = vector.load %arg1[%get3A_5, %get3A_6] : memref<1000x128xf32, #tpu.memory_space<vmem>>, vector<1000x128xf32>
    %mul3A = vector.broadcast %rsqrt3A : vector<1000x1xf32> to vector<1000x128xf32>
    %mul3A_8 = arith.mulf %get3A_7, %mul3A : vector<1000x128xf32>
    %get3A_9 = arith.constant 0 : index
    %get3A_10 = arith.constant 0 : index
    %get3A_11 = vector.load %arg4[%get3A_9, %get3A_10] : memref<128x128xf32, #tpu.memory_space<vmem>>, vector<128x128xf32>
    %dot_general3A = arith.constant dense<0.000000e+00> : vector<1000x128xf32>
    %dot_general3A_12 = tpu.matmul %mul3A_8, %get3A_11, %dot_general3A {dimension_numbers = #tpu.dot_dimension_numbers<[1], [0], [0], [1], [0, 0, 1, 1], [], []>, precision = #tpu.contract_precision<fp32>, transpose_lhs_hint = false} : vector<1000x128xf32>, vector<128x128xf32>, vector<1000x128xf32> -> vector<1000x128xf32>
    %swap3A = arith.constant 0 : index
    %swap3A_13 = arith.constant 0 : index
    %swap3A_14 = vector.load %arg5[%swap3A, %swap3A_13] : memref<1000x128xf32, #tpu.memory_space<vmem>>, vector<1000x128xf32>
    tpu.vector_store %arg5[%swap3A, %swap3A_13], %dot_general3A_12 {strides = array<i32>} : memref<1000x128xf32, #tpu.memory_space<vmem>>, vector<1000x128xf32>,
    return
  }
  func.func @transform_0(%arg0: i32) -> (i32, i32) {
    %c0_i32 = arith.constant 0 : i32
    %c0_i32_0 = arith.constant 0 : i32
    return %arg0, %c0_i32 : i32, i32
  }
  func.func @transform_1(%arg0: i32) -> (i32, i32) {
    %c0_i32 = arith.constant 0 : i32
    %c0_i32_0 = arith.constant 0 : i32
    return %arg0, %c0_i32 : i32, i32
  }
  func.func @transform_2(%arg0: i32) -> (i32, i32) {
    %c0_i32 = arith.constant 0 : i32
    %c0_i32_0 = arith.constant 0 : i32
    return %arg0, %c0_i32 : i32, i32
  }
  func.func @transform_3(%arg0: i32) -> (i32, i32) {
    %c0_i32 = arith.constant 0 : i32
    %c0_i32_0 = arith.constant 0 : i32
    %c0_i32_1 = arith.constant 0 : i32
    return %c0_i32, %c0_i32_0 : i32, i32
  }
  func.func @transform_4(%arg0: i32) -> (i32, i32) {
    %c0_i32 = arith.constant 0 : i32
    %c0_i32_0 = arith.constant 0 : i32
    return %arg0, %c0_i32 : i32, i32
  }
}

module attributes {stable_mosaic.version = 14 : i64} {
  func.func @body(%arg0: i32, %arg1: memref<1000x128xf32, #tpu.memory_space<vmem>>, %arg2: memref<1000x128xf32, #tpu.memory_space<vmem>>, %arg3: memref<1000x1xf32, #tpu.memory_space<vmem>>, %arg4: memref<1000x1xf32, #tpu.memory_space<vmem>>, %arg5: memref<1x128xf32, #tpu.memory_space<vmem>>, %arg6: memref<1000x128xf32, #tpu.memory_space<vmem>>) attributes {dimension_semantics = [#tpu.dimension_semantics<arbitrary>], iteration_bounds = array<i64: 10>, scalar_prefetch = 0 : i64, scratch_operands = 0 : i64, tpu.core_type = #tpu.core_type<tc>, window_params = [{transform_indices = @transform_0, window_bounds = array<i64: 1000, 128>}, {transform_indices = @transform_1, window_bounds = array<i64: 1000, 128>}, {transform_indices = @transform_2, window_bounds = array<i64: 1000, 1>}, {transform_indices = @transform_3, window_bounds = array<i64: 1000, 1>}, {pipeline_mode = #tpu.pipeline_mode<synchronous>, transform_indices = @transform_4, window_bounds = array<i64: 1, 128>}, {transform_indices = @transform_5, window_bounds = array<i64: 1000, 128>}]} {
    %get3A = arith.constant 0 : index
    %get3A_0 = arith.constant 0 : index
    %get3A_1 = vector.load %arg3[%get3A, %get3A_0] : memref<1000x1xf32, #tpu.memory_space<vmem>>, vector<1000x1xf32>
    %get3A_2 = arith.constant 0 : index
    %get3A_3 = arith.constant 0 : index
    %get3A_4 = vector.load %arg4[%get3A_2, %get3A_3] : memref<1000x1xf32, #tpu.memory_space<vmem>>, vector<1000x1xf32>
    %add3A = arith.addf %get3A_1, %get3A_4 : vector<1000x1xf32>
    %rsqrt3A = math.rsqrt %add3A : vector<1000x1xf32>
    %get3A_5 = arith.constant 0 : index
    %get3A_6 = arith.constant 0 : index
    %get3A_7 = vector.load %arg1[%get3A_5, %get3A_6] : memref<1000x128xf32, #tpu.memory_space<vmem>>, vector<1000x128xf32>
    %get3A_8 = arith.constant 0 : index
    %get3A_9 = arith.constant 0 : index
    %get3A_10 = vector.load %arg2[%get3A_8, %get3A_9] : memref<1000x128xf32, #tpu.memory_space<vmem>>, vector<1000x128xf32>
    %add3A_11 = arith.addf %get3A_7, %get3A_10 : vector<1000x128xf32>
    %mul3A = vector.broadcast %rsqrt3A : vector<1000x1xf32> to vector<1000x128xf32>
    %mul3A_12 = arith.mulf %add3A_11, %mul3A : vector<1000x128xf32>
    %get3A_13 = arith.constant 0 : index
    %get3A_14 = arith.constant 0 : index
    %get3A_15 = vector.load %arg5[%get3A_13, %get3A_14] : memref<1x128xf32, #tpu.memory_space<vmem>>, vector<1x128xf32>
    %add3A_16 = vector.broadcast %get3A_15 : vector<1x128xf32> to vector<1000x128xf32>
    %add3A_17 = arith.addf %mul3A_12, %add3A_16 : vector<1000x128xf32>
    %swap3A = arith.constant 0 : index
    %swap3A_18 = arith.constant 0 : index
    %swap3A_19 = vector.load %arg6[%swap3A, %swap3A_18] : memref<1000x128xf32, #tpu.memory_space<vmem>>, vector<1000x128xf32>
    tpu.vector_store %arg6[%swap3A, %swap3A_18], %add3A_17 {strides = array<i32>} : memref<1000x128xf32, #tpu.memory_space<vmem>>, vector<1000x128xf32>,
    return
  }
  func.func @transform_0(%arg0: i32) -> (i32, i32) {
    %c0_i32 = arith.constant 0 : i32
    %c0_i32_0 = arith.constant 0 : i32
    return %arg0, %c0_i32 : i32, i32
  }
  func.func @transform_1(%arg0: i32) -> (i32, i32) {
    %c0_i32 = arith.constant 0 : i32
    %c0_i32_0 = arith.constant 0 : i32
    return %arg0, %c0_i32 : i32, i32
  }
  func.func @transform_2(%arg0: i32) -> (i32, i32) {
    %c0_i32 = arith.constant 0 : i32
    %c0_i32_0 = arith.constant 0 : i32
    return %arg0, %c0_i32 : i32, i32
  }
  func.func @transform_3(%arg0: i32) -> (i32, i32) {
    %c0_i32 = arith.constant 0 : i32
    %c0_i32_0 = arith.constant 0 : i32
    return %arg0, %c0_i32 : i32, i32
  }
  func.func @transform_4(%arg0: i32) -> (i32, i32) {
    %c0_i32 = arith.constant 0 : i32
    %c0_i32_0 = arith.constant 0 : i32
    %c0_i32_1 = arith.constant 0 : i32
    return %c0_i32, %c0_i32_0 : i32, i32
  }
  func.func @transform_5(%arg0: i32) -> (i32, i32) {
    %c0_i32 = arith.constant 0 : i32
    %c0_i32_0 = arith.constant 0 : i32
    return %arg0, %c0_i32 : i32, i32
  }
}

</mosaic_0001>

<sc_bundles>
// kernel: kernel.6.cloned.1.call-start
scs
__scs_entry_jumppad:
0x0: {  	(pc) =	sbr.rel $0x88, $3  }
0x1: {  	(tag) =	ssettag $0x0;
	lr =	simm.s32 $0x1  }
0x2: {  	[smem:$0x3F9D] =	sst lr;
	_ =	strace $0xD0000000  }
0x3: {  	_ = 	snop  }
0x4: {  	_ = 	snop  }
0x5: {  	_ = 	snop  }
0x6: {  	_ = 	snop  }
0x7: {  	_ = 	snop  }
__scs_overlays_trampoline_lowered:
0x8: {  	[smem:$0x3FAC] =	sst s0  }
0x9: {  	[smem:$0x3FAD] =	sst s1  }
0xa: {  	[smem:$0x3FAE] =	sst s2  }
0xb: {  	[smem:$0x3FAF] =	sst s3  }
0xc: {  	[smem:$0x3FB0] =	sst s4  }
0xd: {  	[smem:$0x3FB1] =	sst s5  }
0xe: {  	[smem:$0x3FB2] =	sst s6  }
0xf: {  	[smem:$0x3FB3] =	sst s7  }
0x10: {  	[smem:$0x3FB4] =	sst s8  }
0x11: {  	[smem:$0x3FB5] =	sst s9;
	s0 =	simm.s32 @!p0 $0x0  }
0x12: {  	s1 =	sld [smem:$0x3F9B];
	s0 =	simm.s32 @p0 $0x1  }
0x13: {  	[smem:$0x3FB6] =	sst s0;
	s0 =	simm.s32 @!p1 $0x0  }
0x14: {  	s2 =	sld [smem:$0x3F9A];
	s0 =	simm.s32 @p1 $0x1  }
0x15: {  	[smem:$0x3FB7] =	sst s0;
	s0 =	simm.s32 @!p2 $0x0  }
0x16: {  	s3 =	sld [smem:$0x3FDB];
	s0 =	simm.s32 @p2 $0x1  }
0x17: {  	s4 =	simm.s32 $0x1BF5;
	[smem:$0x3FB9] =	sst s0  }
0x18: {  	s0 =	sld [smem:$0x3F9C];
	_ =	swait.ge [sflag:s4], $0x0  }
0x19: {  	s7 =	sld [smem:$0x3F9D]  }
0x1a: {  	s8 =	sadd.s32 $0xFFFFE003, lr  }
0x1b: {  	s9 =	sadd.s32 $0xFFFFFEF7, lr;
	s5 =	simm.s32 $0xFFFFFFFF;
	p2 =	slt.u32 s8, $0xFFFFF086  }
0x1c: {  	p1 =	slt.u32 s9, $0xF7A;
	s5 =	simm.s32 @!p2 $0x0  }
0x1d: {  	s5 =	simm.s32 @p1 $0x1;
	p0 =	seq.s32 s7, s2  }
0x1e: {  	s7 =	smul.u32 @!p0 $0xF7A, s2;
	p2 =	seq.s32 @!p0 s5, $0x0  }
0x1f: {  	s9 =	smul.u32 $0xF7A, s1;
	s8 =	simm.s32 @!p0 $0x1BF5;
	p2 =	por !p2, p0  }
0x20: {  	[sflag:s8] =	ssyncset.s32 @!p0 $0xFFFFF086;
	s6 =	sadd.s32 @!p0 s3, s7;
	s7 =	simm.s32 @!p0 $0x108  }
0x21: {  	s3 =	sadd.s32 s3, s9;
	s6 =	sadd.s32 @!p0 $0x88, s6;
	s7 =	simm.s32 @p2 $0x1082  }
0x22: {  	[simem:s7], [sflag:s8] =	dma.local @!p0 [hbm:s6], $0xF7A  }
0x23: {  	s9 =	sor.u32 $0xD0000000, s2;
	s6 =	simm.s32 $0x108;
	_ =	swait.ge @!p0 [sflag:s8], $0x0  }
0x24: {  	s3 =	sadd.s32 $0x88, s3;
	s6 =	simm.s32 @!p1 $0x1082;
	[sflag:s4] =	ssyncset.s32 $0xFFFFF086  }
0x25: {  	[simem:s6], [sflag:s4] =	dma.local [hbm:s3], $0xF7A  }
0x26: {  	[smem:$0x3F9D] =	sst s1;
	(tag) =	ssettag s2;
	_ =	strace s9  }
0x27: {  	s1 =	sld [smem:$0x3FAD]  }
0x28: {  	s2 =	sld [smem:$0x3FAE]  }
0x29: {  	s4 =	sld [smem:$0x3FB0]  }
0x2a: {  	p0 =	seq.s32 s5, $0x0;
	s5 =	sld [smem:$0x3FB1]  }
0x2b: {  	s6 =	sld [smem:$0x3FB2]  }
0x2c: {  	s7 =	sld [smem:$0x3FB3]  }
0x2d: {  	s3 =	simm.s32 $0x108;
	s8 =	sld [smem:$0x3FB4]  }
0x2e: {  	s3 =	simm.s32 @!p0 $0x1082;
	s9 =	sld [smem:$0x3FB5]  }
0x2f: {  	lr =	sadd.s32 s0, s3;
	s0 =	sld [smem:$0x3FAC]  }
0x30: {  	s3 =	sld [smem:$0x3FAF]  }
0x31: {  	[smem:$0x3FB8] =	sst s10  }
0x32: {  	s10 =	sld [smem:$0x3FB6];
	_ =	sdelay $0x3  }
0x33: {  	p0 =	seq.s32 s10, $0x1;
	s10 =	sld [smem:$0x3FB8];
	_ =	sdelay $0x3  }
0x34: {  	[smem:$0x3FB8] =	sst s10  }
0x35: {  	s10 =	sld [smem:$0x3FB7];
	_ =	sdelay $0x3  }
0x36: {  	p1 =	seq.s32 s10, $0x1;
	s10 =	sld [smem:$0x3FB8];
	_ =	sdelay $0x3  }
0x37: {  	[smem:$0x3FB8] =	sst s10  }
0x38: {  	s10 =	sld [smem:$0x3FB9]  }
0x39: {  	_ = 	snop;
	(pc) =	sbr.ind lr, $3  }
0x3a: {  	_ = 	snop  }
0x3b: {  	_ = 	snop  }
0x3c: {  	p2 =	seq.s32 s10, $0x1;
	s10 =	sld [smem:$0x3FB8]  }
0x3d: {  	_ =	shalt  }
0x3e: {  	_ =	shalt  }
0x3f: {  	_ =	shalt  }
0x40: {  	_ =	shalt  }
0x41: {  	_ =	shalt  }
0x42: {  	_ =	shalt  }
0x43: {  	_ =	shalt  }
0x44: {  	_ =	shalt  }
0x45: {  	_ =	shalt  }
0x46: {  	_ =	shalt  }
0x47: {  	_ =	shalt  }
0x48: {  	_ =	shalt  }
0x49: {  	_ =	shalt  }
0x4a: {  	_ =	shalt  }
0x4b: {  	_ =	shalt  }
0x4c: {  	_ =	shalt  }
0x4d: {  	_ =	shalt  }
0x4e: {  	_ =	shalt  }
0x4f: {  	_ =	shalt  }
0x50: {  	_ =	shalt  }
0x51: {  	_ =	shalt  }
0x52: {  	_ =	shalt  }
0x53: {  	_ =	shalt  }
0x54: {  	_ =	shalt  }
0x55: {  	_ =	shalt  }
0x56: {  	_ =	shalt  }
0x57: {  	_ =	shalt  }
0x58: {  	_ =	shalt  }
0x59: {  	_ =	shalt  }
0x5a: {  	_ =	shalt  }
0x5b: {  	_ =	shalt  }
0x5c: {  	_ =	shalt  }
0x5d: {  	_ =	shalt  }
0x5e: {  	_ =	shalt  }
0x5f: {  	_ =	shalt  }
0x60: {  	_ =	shalt  }
0x61: {  	_ =	shalt  }
0x62: {  	_ =	shalt  }
0x63: {  	_ =	shalt  }
0x64: {  	_ =	shalt  }
0x65: {  	_ =	shalt  }
0x66: {  	_ =	shalt  }
0x67: {  	_ =	shalt  }
0x68: {  	_ =	shalt  }
0x69: {  	_ =	shalt  }
0x6a: {  	_ =	shalt  }
0x6b: {  	_ =	shalt  }
0x6c: {  	_ =	shalt  }
0x6d: {  	_ =	shalt  }
0x6e: {  	_ =	shalt  }
0x6f: {  	_ =	shalt  }
0x70: {  	_ =	shalt  }
0x71: {  	_ =	shalt  }
0x72: {  	_ =	shalt  }
0x73: {  	_ =	shalt  }
0x74: {  	_ =	shalt  }
0x75: {  	_ =	shalt  }
0x76: {  	_ =	shalt  }
0x77: {  	_ =	shalt  }
0x78: {  	_ =	shalt  }
0x79: {  	_ =	shalt  }
0x7a: {  	_ =	shalt  }
0x7b: {  	_ =	shalt  }
0x7c: {  	_ =	shalt  }
0x7d: {  	_ =	shalt  }
0x7e: {  	_ =	shalt  }
0x7f: {  	_ =	shalt  }
0x80: {  	_ =	shalt  }
0x81: {  	_ =	shalt  }
0x82: {  	_ =	shalt  }
0x83: {  	_ =	shalt  }
0x84: {  	_ =	shalt  }
0x85: {  	_ =	shalt  }
0x86: {  	_ =	shalt  }
0x87: {  	_ =	shalt  }
.Lfunc_end0:
.L_simem_size_0:
called_computation_lowered:
.L_overlay_start_0:
0x88: {  	s2 =	sld [smem:$0x3FD9]  }
0x89: {  	s3 =	sld [smem:$0x3FFE];
	_ =	sdelay $0x1  }
0x8a: {  	s1 =	srdreg.scid  }
0x8b: {  	s0 =	sand.u32 $0x1, s1  }
0x8c: {  	s17 =	sshll.u32 s0, $0xA;
	s2 =	sadd.s32 s3, s2  }
0x8d: {  	s2 =	sadd.s32 s2, s17  }
0x8e: {  	[smem:$0x3FC4] =	sst s2  }
0x8f: {  	_ = 	snop  }
0x90: {  	s2 =	sld [smem:$0x3FD0];
	(tm) =	ssettm $0x1  }
0x91: {  	s18 =	sld [smem:$0x3FFB];
	_ =	sdelay $0x3  }
0x92: {  	_ =	strace s18  }
0x93: {  	s3 =	sld [smem:$0x3FFC];
	_ =	sdelay $0x3  }
0x94: {  	_ =	strace s3  }
0x95: {  	s3 =	sld [smem:$0x3FFD];
	_ =	sdelay $0x3  }
0x96: {  	_ =	strace s3  }
0x97: {  	_ =	strace $0x8FFFFFFF  }
0x98: {  	s19 =	sld [smem:$0x3FDB];
	_ =	sdelay $0x1  }
0x99: {  	s4 =	simm.s32 $_scs_section_size  }
0x9a: {  	s5 =	simm.s32 $_size__tile_overlayer_lowered;
	s6 =	simm.s32 $_tile_overlayer_lowered  }
0x9b: {  	s22 =	simm.s32 $0x1BFF;
	s21 =	sshll.u32 s6, $0x1;
	s3 =	sadd.s32 s4, s19  }
0x9c: {  	s7 =	simm.s32 $0x0;
	s20 =	sshll.u32 s5, $0x1;
	s5 =	sadd.s32 s21, s3  }
0x9d: {  	[timem:s7], [sflag:s22] =	dma.local [hbm:s5], s20  }
0x9e: {  	_ =	swait.ge [sflag:s22], s20  }
0x9f: {  	s4 =	ssub.s32 $0x0, s20;
	[sflag:s22] =	ssyncset.done $0x0  }
0xa0: {  	[sflag:s22] =	ssyncadd.s32 s4;
	_ =	sdelay $0x1  }
0xa1: {  	s23 =	simm.s32 $0x1B8B  }
0xa2: {  	_ =	swait.ge [sflag:s23], $0x1  }
0xa3: {  	[sflag:s23] =	ssyncset.done $0x0  }
0xa4: {  	s25 =	simm.s32 $0x1B8E;
	s24 =	sld [smem:$0x3FFE];
	[sflag:s23] =	ssyncadd.s32 $0xFFFFFFFF  }
0xa5: {  	s26 =	simm.s32 $execute0_lowered;
	[smem:$0x3FD2] =	sst s25  }
0xa6: {  	s5 =	sshll.u32 s26, $0x1;
	_ =	strace $0x80000046;
	[dreg:$0x1] =	wrdreg $0xFFFFFFFF  }
0xa7: {  	s28 =	simm.s32 $_size_execute0_lowered;
	s3 =	sadd.s32 s3, s5;
	[dreg:$0x0] =	wrdreg $0x0  }
0xa8: {  	s5 =	sshll.u32 s28, $0x1;
	[dreg:$0x2] =	wrdreg s3  }
0xa9: {  	[dreg:$0x3] =	wrdreg s5  }
0xaa: {  	[dreg:$0x4] =	wrdreg $0xC0  }
0xab: {  	_ =	task [dreg:s7], $0x5FFFF  }
0xac: {  	[dreg:$0x1] =	wrdreg $0xFFFFFFFF  }
0xad: {  	[dreg:$0x0] =	wrdreg $0x60  }
0xae: {  	[dreg:$0x2] =	wrdreg s2  }
0xaf: {  	[dreg:$0x3] =	wrdreg s24  }
0xb0: {  	[dreg:$0x4] =	wrdreg $0xB000  }
0xb1: {  	[dreg:$0x5] =	wrdreg $0x9  }
0xb2: {  	_ =	task.clear_ibuf [dreg:s7], $0x6FFFF;
	_ =	strace $0x90000046  }
0xb3: {  	s29 =	simm.s32 $0x9;
	_ =	strace $0x80000048  }
0xb4: {  	_ =	swait.ge [sflag:s29], $0x1  }
0xb5: {  	[sflag:s29] =	ssyncadd.s32 $0xFFFFFFFF  }
0xb6: {  	_ =	strace $0x90000048  }
0xb7: {  	_ =	sfence  }
0xb8: {  	s30 =	sld [smem:$0x0];
	_ =	sdelay $0x2  }
0xb9: {  	s31 =	sshll.u32 s1, $0xD;
	s1 =	sshrl.u32 s1, $0x2  }
0xba: {  	s3 =	sand.u32 $0x4000, s31;
	s1 =	sadd.s32 s1, s30  }
0xbb: {  	s0 =	sor.u32 s3, s0;
	s1 =	sshll.u32 s1, $0x11  }
0xbc: {  	s0 =	sor.u32 s1, s0  }
0xbd: {  	s0 =	sadd.s32 $0x8F2B, s0  }
0xbe: {  	[sflag:s0] =	ssyncadd.remote.s32 $0x1  }
0xbf: {  	_ =	sfence.sel $0xFFFF  }
0xc0: {  	[dreg:$0x0] =	wrdreg $0xFFFFFFFF;
	(pc) =	sbr.abs _section_cstart, $3  }
0xc1: {  	[dreg:$0x1] =	wrdreg $0xFFFFFFFF  }
0xc2: {  	_ =	task.clear_ibuf [dreg:s7], $0x2FFFF;
	_ =	strace $0x9FFFFFFF  }
0xc3: {  	(tm) =	ssettm $0x7FFFFFFF  }
tec
execute0_lowered:
.L_overlay_start_1:
0x0: {  	(tag) =	ssettag $0x1  }
0x1: {  	s1 =	rddreg [dreg:$0x0]  }
0x2: {  	s0 =	rddreg [dreg:$0x1]  }
0x3: {  	s3 =	rddreg [dreg:$0x2]  }
0x4: {  	s2 =	srdreg.scid;
	s10 =	stileid.u32  }
0x5: {  	s4 =	simm.s32 $0x0;
	s13 =	simm.s32 $0x880;
	s14 =	simm.s32 $0x3  }
0x6: {  	s15 =	simm.s32 $0x800;
	s16 =	simm.s32 $0x400;
	s17 =	simm.s32 $0x80  }
0x7: {  	s18 =	simm.s32 $0x100;
	s19 =	simm.s32 $0x180;
	s20 =	simm.s32 $0x200  }
0x8: {  	s21 =	simm.s32 $0x280;
	s22 =	simm.s32 $0x300;
	s28 =	simm.s32 $0x580  }
0x9: {  	s29 =	simm.s32 $0x600;
	s30 =	simm.s32 $0x680;
	s31 =	simm.s32 $0x700  }
0xa: {  	s2 =	sand.u32 $0x1, s2;
	s5 =	smul.u32 $0x278, s10;
	[smem:$0x7FF] =	sst s4  }
0xb: {  	s8 =	sadd.s32 $0x1400, s0;
	s11 =	sadd.s32 $0x1200, s0;
	s6 =	sshll.u32 s2, $0x4  }
0xc: {  	s7 =	smul.u32 $0x2780, s2;
	_ =	strace $0x80000047;
	[dreg:$0x4] =	wrdreg s8  }
0xd: {  	s23 =	ssub.s32 $0x2, s2;
	s2 =	smul.u32 $0x28000, s2;
	[dreg:$0x5] =	wrdreg s11  }
0xe: {  	s6 =	sor.u32 s10, s6;
	s9 =	sshrl.u32 s23, $0x1;
	s10 =	smul.u32 $0x2800, s10  }
0xf: {  	s6 =	smul.u32 $0x2800, s6;
	s7 =	sadd.s32 s5, s7;
	s8 =	ssub.s32 s23, s9  }
0x10: {  	s23 =	simm.s32 $0x380;
	s7 =	sshrl.u32 s7, $0x3;
	s2 =	sadd.s32 s10, s2  }
0x11: {  	s26 =	smax.u32 s8, $0x1;
	s0 =	sadd.s32 s7, s0;
	s7 =	sadd.s32 s5, s3  }
0x12: {  	s24 =	sshrl.u32 s6, $0x3;
	s25 =	sor.u32 $0x400, s2;
	[dreg:$0x8] =	wrdreg s26  }
0x13: {  	s11 =	sadd.s32 $0x800, s2;
	s26 =	simm.s32 $0x500;
	s5 =	sadd.s32 s1, s24  }
0x14: {  	s2 =	simm.s32 $0x0;
	s0 =	sadd.s32 $0x1600, s0;
	[dreg:$0x6] =	wrdreg s5  }
0x15: {  	s24 =	simm.s32 $0x2;
	[dreg:$0x7] =	wrdreg s0;
	s0 =	sshrl.u32 s25, $0x3  }
0x16: {  	s25 =	simm.s32 $0x480;
	s12 =	sadd.s32 s0, s1;
	s0 =	simm.s32 $0x780  }
.LBB2_1:
0x17: {  	s5 =	rddreg [dreg:$0x4]  }
0x18: {  	[tilespmem:s13], [sflag:$0x3] =	stream.linear.gather [hbm4b:s5+s4], $0x280, $0x38;
	[tilespmem:$0xD78] =	vst v63  }
0x19: {  	_ =	swait.ge [sflag:s14], $0x280  }
0x1a: {  	[sflag:s14] =	ssyncset.done $0x0  }
0x1b: {  	[sflag:s14] =	ssyncadd.s32 $0xFFFFFD80  }
0x1c: {  	[spmem:s7] =	stream.linear.scatter [tilespmem:s13], [sflag:$0x3], $0x278, $0x38;
	[tilespmem:$0xD78] =	vst v63  }
0x1d: {  	_ =	swait.ge [sflag:s14], $0x278  }
0x1e: {  	[sflag:s14] =	ssyncset.done $0x0  }
0x1f: {  	s9 =	rddreg [dreg:$0x5];
	[sflag:s14] =	ssyncadd.s32 $0xFFFFFD88  }
0x20: {  	[tilespmem:s15], [sflag:$0x3] =	stream.linear.gather [hbm4b:s9+s4], $0x80, $0x38;
	[tilespmem:$0xD78] =	vst v63  }
0x21: {  	_ =	swait.ge [sflag:s14], $0x80  }
0x22: {  	[sflag:s14] =	ssyncset.done $0x0  }
0x23: {  	s10 =	rddreg [dreg:$0x6];
	[sflag:s14] =	ssyncadd.s32 $0xFFFFFF80  }
0x24: {  	[tilespmem:s4], [sflag:$0x3] =	stream.linear.gather [hbm4b:s10+s4], $0x400, $0x38;
	[tilespmem:$0xD78] =	vst v63  }
0x25: {  	_ =	swait.ge [sflag:s14], $0x400  }
0x26: {  	[sflag:s14] =	ssyncset.done $0x0  }
0x27: {  	p0 =	por $0x1, $0x1;
	[sflag:s14] =	ssyncadd.s32 $0xFFFFFC00  }
0x28: {  	s5 =	simm.s32 @!p0 $0x1;
	[bflag:$0x0] =	sbarrier.arrive $0xFFFF  }
0x29: {  	_ =	swait.ge @!p0 [sflag:s5], $0x400  }
0x2a: {  	[sflag:s5] =	ssyncset.done @!p0 $0x0  }
0x2b: {  	[sflag:s5] =	ssyncadd.s32 @!p0 $0xFFFFFC00  }
0x2c: {  	[tilespmem:s16], [sflag:$0x2] =	stream.linear.gather [hbm4b:s12+s4], $0x400, $0x38;
	[tilespmem:$0xD78] =	vst v63  }
0x2d: {  	_ = 	snop  }
0x2e: {  	[spmem:s3] =	stream.indirect.scatter.add.f32 [tilespmem:s15], [sflag:$0x3], $0x1, s4, s17, $0xb8;
	[tilespmem:$0xD78] =	vst v63  }
0x2f: {  	_ =	swait.ge [sflag:s14], $0x80  }
0x30: {  	[sflag:s14] =	ssyncset.done $0x0  }
0x31: {  	[sflag:s14] =	ssyncadd.s32 $0xFFFFFF80  }
0x32: {  	[spmem:s3] =	stream.indirect.scatter.add.f32 [tilespmem:s15], [sflag:$0x3], $0x1, s17, s17, $0xb8;
	[tilespmem:$0xD78] =	vst v63  }
0x33: {  	_ =	swait.ge [sflag:s14], $0x80  }
0x34: {  	[sflag:s14] =	ssyncset.done $0x0  }
0x35: {  	[sflag:s14] =	ssyncadd.s32 $0xFFFFFF80  }
0x36: {  	[spmem:s3] =	stream.indirect.scatter.add.f32 [tilespmem:s15], [sflag:$0x3], $0x1, s18, s17, $0xb8;
	[tilespmem:$0xD78] =	vst v63  }
0x37: {  	_ =	swait.ge [sflag:s14], $0x80  }
0x38: {  	[sflag:s14] =	ssyncset.done $0x0  }
0x39: {  	[sflag:s14] =	ssyncadd.s32 $0xFFFFFF80  }
0x3a: {  	[spmem:s3] =	stream.indirect.scatter.add.f32 [tilespmem:s15], [sflag:$0x3], $0x1, s19, s17, $0xb8;
	[tilespmem:$0xD78] =	vst v63  }
0x3b: {  	_ =	swait.ge [sflag:s14], $0x80  }
0x3c: {  	[sflag:s14] =	ssyncset.done $0x0  }
0x3d: {  	[sflag:s14] =	ssyncadd.s32 $0xFFFFFF80  }
0x3e: {  	[spmem:s3] =	stream.indirect.scatter.add.f32 [tilespmem:s15], [sflag:$0x3], $0x1, s20, s17, $0xb8;
	[tilespmem:$0xD78] =	vst v63  }
0x3f: {  	_ =	swait.ge [sflag:s14], $0x80  }
0x40: {  	[sflag:s14] =	ssyncset.done $0x0  }
0x41: {  	[sflag:s14] =	ssyncadd.s32 $0xFFFFFF80  }
0x42: {  	[spmem:s3] =	stream.indirect.scatter.add.f32 [tilespmem:s15], [sflag:$0x3], $0x1, s21, s17, $0xb8;
	[tilespmem:$0xD78] =	vst v63  }
0x43: {  	_ =	swait.ge [sflag:s14], $0x80  }
0x44: {  	[sflag:s14] =	ssyncset.done $0x0  }
0x45: {  	[sflag:s14] =	ssyncadd.s32 $0xFFFFFF80  }
0x46: {  	[spmem:s3] =	stream.indirect.scatter.add.f32 [tilespmem:s15], [sflag:$0x3], $0x1, s22, s17, $0xb8;
	[tilespmem:$0xD78] =	vst v63  }
0x47: {  	_ =	swait.ge [sflag:s14], $0x80  }
0x48: {  	[sflag:s14] =	ssyncset.done $0x0  }
0x49: {  	[sflag:s14] =	ssyncadd.s32 $0xFFFFFF80  }
0x4a: {  	[spmem:s3] =	stream.indirect.scatter.add.f32 [tilespmem:s15], [sflag:$0x3], $0x1, s23, s17, $0xb8;
	[tilespmem:$0xD78] =	vst v63  }
0x4b: {  	_ =	swait.ge [sflag:s14], $0x80  }
0x4c: {  	[sflag:s14] =	ssyncset.done $0x0  }
0x4d: {  	p0 =	por $0x0, $0x0;
	[sflag:s14] =	ssyncadd.s32 $0xFFFFFF80  }
0x4e: {  	s5 =	sadd.s32 @!p0 $0x0, s11;
	_ =	swait.ge [sflag:s24], $0x400  }
0x4f: {  	s5 =	sshrl.u32 @!p0 s5, $0x3;
	[sflag:s24] =	ssyncset.done $0x0  }
0x50: {  	s6 =	simm.s32 @!p0 $0x0;
	s5 =	sadd.s32 @!p0 s1, s5;
	[sflag:s24] =	ssyncadd.s32 $0xFFFFFC00  }
0x51: {  	[tilespmem:s6], [sflag:$0x1] =	stream.linear.gather @!p0 [hbm4b:s5+s6], $0x400, $0x38;
	[tilespmem:$0xD78] =	vst v63  }
0x52: {  	_ = 	snop  }
0x53: {  	[spmem:s3] =	stream.indirect.scatter.add.f32 [tilespmem:s15], [sflag:$0x3], $0x1, s16, s17, $0xb8;
	[tilespmem:$0xD78] =	vst v63  }
0x54: {  	_ =	swait.ge [sflag:s14], $0x80  }
0x55: {  	[sflag:s14] =	ssyncset.done $0x0  }
0x56: {  	[sflag:s14] =	ssyncadd.s32 $0xFFFFFF80  }
0x57: {  	[spmem:s3] =	stream.indirect.scatter.add.f32 [tilespmem:s15], [sflag:$0x3], $0x1, s25, s17, $0xb8;
	[tilespmem:$0xD78] =	vst v63  }
0x58: {  	_ =	swait.ge [sflag:s14], $0x80  }
0x59: {  	[sflag:s14] =	ssyncset.done $0x0  }
0x5a: {  	[sflag:s14] =	ssyncadd.s32 $0xFFFFFF80  }
0x5b: {  	[spmem:s3] =	stream.indirect.scatter.add.f32 [tilespmem:s15], [sflag:$0x3], $0x1, s26, s17, $0xb8;
	[tilespmem:$0xD78] =	vst v63  }
0x5c: {  	_ =	swait.ge [sflag:s14], $0x80  }
0x5d: {  	[sflag:s14] =	ssyncset.done $0x0  }
0x5e: {  	[sflag:s14] =	ssyncadd.s32 $0xFFFFFF80  }
0x5f: {  	[spmem:s3] =	stream.indirect.scatter.add.f32 [tilespmem:s15], [sflag:$0x3], $0x1, s28, s17, $0xb8;
	[tilespmem:$0xD78] =	vst v63  }
0x60: {  	_ =	swait.ge [sflag:s14], $0x80  }
0x61: {  	[sflag:s14] =	ssyncset.done $0x0  }
0x62: {  	[sflag:s14] =	ssyncadd.s32 $0xFFFFFF80  }
0x63: {  	[spmem:s3] =	stream.indirect.scatter.add.f32 [tilespmem:s15], [sflag:$0x3], $0x1, s29, s17, $0xb8;
	[tilespmem:$0xD78] =	vst v63  }
0x64: {  	_ =	swait.ge [sflag:s14], $0x80  }
0x65: {  	[sflag:s14] =	ssyncset.done $0x0  }
0x66: {  	[sflag:s14] =	ssyncadd.s32 $0xFFFFFF80  }
0x67: {  	[spmem:s3] =	stream.indirect.scatter.add.f32 [tilespmem:s15], [sflag:$0x3], $0x1, s30, s17, $0xb8;
	[tilespmem:$0xD78] =	vst v63  }
0x68: {  	_ =	swait.ge [sflag:s14], $0x80  }
0x69: {  	[sflag:s14] =	ssyncset.done $0x0  }
0x6a: {  	[sflag:s14] =	ssyncadd.s32 $0xFFFFFF80  }
0x6b: {  	[spmem:s3] =	stream.indirect.scatter.add.f32 [tilespmem:s15], [sflag:$0x3], $0x1, s31, s17, $0xb8;
	[tilespmem:$0xD78] =	vst v63  }
0x6c: {  	_ =	swait.ge [sflag:s14], $0x80  }
0x6d: {  	[sflag:s14] =	ssyncset.done $0x0  }
0x6e: {  	[sflag:s14] =	ssyncadd.s32 $0xFFFFFF80  }
0x6f: {  	[spmem:s3] =	stream.indirect.scatter.add.f32 [tilespmem:s15], [sflag:$0x3], $0x1, s0, s17, $0xb8;
	[tilespmem:$0xD78] =	vst v63  }
0x70: {  	s8 =	simm.s32 $0x1000;
	p1 =	por $0x0, $0x0;
	_ =	swait.ge [sflag:s14], $0x80  }
0x71: {  	s5 =	simm.s32 $0x800;
	s6 =	sadd.s32 $0x100, s12;
	[sflag:s14] =	ssyncset.done $0x0  }
.LBB2_2:
0x72: {  	s10 =	simm.s32 @!p1 $0x1  }
0x73: {  	[sflag:s14] =	ssyncadd.s32 $0xFFFFFF80;
	s9 =	smov.u32 s8;
	s8 =	sadd.s32 $0x800, s8  }
0x74: {  	p0 =	sne.s32 s8, $0x2800;
	_ =	swait.ge @!p1 [sflag:s10], $0x400  }
0x75: {  	[sflag:s10] =	ssyncset.done @!p1 $0x0  }
0x76: {  	[sflag:s10] =	ssyncadd.s32 @!p1 $0xFFFFFC00  }
0x77: {  	[tilespmem:s16], [sflag:$0x2] =	stream.linear.gather [hbm4b:s6+s4], $0x400, $0x38;
	[tilespmem:$0xD78] =	vst v63  }
0x78: {  	_ = 	snop  }
0x79: {  	[spmem:s3] =	stream.indirect.scatter.add.f32 [tilespmem:s15], [sflag:$0x3], $0x1, s4, s17, $0xb8;
	[tilespmem:$0xD78] =	vst v63  }
0x7a: {  	_ =	swait.ge [sflag:s14], $0x80  }
0x7b: {  	[sflag:s14] =	ssyncset.done $0x0  }
0x7c: {  	[sflag:s14] =	ssyncadd.s32 $0xFFFFFF80  }
0x7d: {  	[spmem:s3] =	stream.indirect.scatter.add.f32 [tilespmem:s15], [sflag:$0x3], $0x1, s17, s17, $0xb8;
	[tilespmem:$0xD78] =	vst v63  }
0x7e: {  	_ =	swait.ge [sflag:s14], $0x80  }
0x7f: {  	[sflag:s14] =	ssyncset.done $0x0  }
0x80: {  	[sflag:s14] =	ssyncadd.s32 $0xFFFFFF80  }
0x81: {  	[spmem:s3] =	stream.indirect.scatter.add.f32 [tilespmem:s15], [sflag:$0x3], $0x1, s18, s17, $0xb8;
	[tilespmem:$0xD78] =	vst v63  }
0x82: {  	_ =	swait.ge [sflag:s14], $0x80  }
0x83: {  	[sflag:s14] =	ssyncset.done $0x0  }
0x84: {  	[sflag:s14] =	ssyncadd.s32 $0xFFFFFF80  }
0x85: {  	[spmem:s3] =	stream.indirect.scatter.add.f32 [tilespmem:s15], [sflag:$0x3], $0x1, s19, s17, $0xb8;
	[tilespmem:$0xD78] =	vst v63  }
0x86: {  	_ =	swait.ge [sflag:s14], $0x80  }
0x87: {  	[sflag:s14] =	ssyncset.done $0x0  }
0x88: {  	[sflag:s14] =	ssyncadd.s32 $0xFFFFFF80  }
0x89: {  	[spmem:s3] =	stream.indirect.scatter.add.f32 [tilespmem:s15], [sflag:$0x3], $0x1, s20, s17, $0xb8;
	[tilespmem:$0xD78] =	vst v63  }
0x8a: {  	_ =	swait.ge [sflag:s14], $0x80  }
0x8b: {  	[sflag:s14] =	ssyncset.done $0x0  }
0x8c: {  	[sflag:s14] =	ssyncadd.s32 $0xFFFFFF80  }
0x8d: {  	[spmem:s3] =	stream.indirect.scatter.add.f32 [tilespmem:s15], [sflag:$0x3], $0x1, s21, s17, $0xb8;
	[tilespmem:$0xD78] =	vst v63  }
0x8e: {  	_ =	swait.ge [sflag:s14], $0x80  }
0x8f: {  	[sflag:s14] =	ssyncset.done $0x0  }
0x90: {  	[sflag:s14] =	ssyncadd.s32 $0xFFFFFF80  }
0x91: {  	[spmem:s3] =	stream.indirect.scatter.add.f32 [tilespmem:s15], [sflag:$0x3], $0x1, s22, s17, $0xb8;
	[tilespmem:$0xD78] =	vst v63  }
0x92: {  	_ =	swait.ge [sflag:s14], $0x80  }
0x93: {  	[sflag:s14] =	ssyncset.done $0x0  }
0x94: {  	[sflag:s14] =	ssyncadd.s32 $0xFFFFFF80  }
0x95: {  	[spmem:s3] =	stream.indirect.scatter.add.f32 [tilespmem:s15], [sflag:$0x3], $0x1, s23, s17, $0xb8;
	[tilespmem:$0xD78] =	vst v63  }
0x96: {  	_ =	swait.ge [sflag:s14], $0x80  }
0x97: {  	[sflag:s14] =	ssyncset.done $0x0  }
0x98: {  	p1 =	seq.s32 s5, $0x2000;
	[sflag:s14] =	ssyncadd.s32 $0xFFFFFF80  }
0x99: {  	s10 =	sadd.s32 @!p1 s5, s11;
	s5 =	smov.u32 s9;
	_ =	swait.ge [sflag:s24], $0x400  }
0x9a: {  	s9 =	sshrl.u32 @!p1 s10, $0x3;
	[sflag:s24] =	ssyncset.done $0x0  }
0x9b: {  	s10 =	simm.s32 @!p1 $0x0;
	s9 =	sadd.s32 @!p1 s1, s9;
	[sflag:s24] =	ssyncadd.s32 $0xFFFFFC00  }
0x9c: {  	[tilespmem:s10], [sflag:$0x1] =	stream.linear.gather @!p1 [hbm4b:s9+s10], $0x400, $0x38;
	[tilespmem:$0xD78] =	vst v63  }
0x9d: {  	_ = 	snop  }
0x9e: {  	[spmem:s3] =	stream.indirect.scatter.add.f32 [tilespmem:s15], [sflag:$0x3], $0x1, s16, s17, $0xb8;
	[tilespmem:$0xD78] =	vst v63  }
0x9f: {  	_ =	swait.ge [sflag:s14], $0x80  }
0xa0: {  	[sflag:s14] =	ssyncset.done $0x0  }
0xa1: {  	[sflag:s14] =	ssyncadd.s32 $0xFFFFFF80  }
0xa2: {  	[spmem:s3] =	stream.indirect.scatter.add.f32 [tilespmem:s15], [sflag:$0x3], $0x1, s25, s17, $0xb8;
	[tilespmem:$0xD78] =	vst v63  }
0xa3: {  	_ =	swait.ge [sflag:s14], $0x80  }
0xa4: {  	[sflag:s14] =	ssyncset.done $0x0  }
0xa5: {  	[sflag:s14] =	ssyncadd.s32 $0xFFFFFF80  }
0xa6: {  	[spmem:s3] =	stream.indirect.scatter.add.f32 [tilespmem:s15], [sflag:$0x3], $0x1, s26, s17, $0xb8;
	[tilespmem:$0xD78] =	vst v63  }
0xa7: {  	_ =	swait.ge [sflag:s14], $0x80  }
0xa8: {  	[sflag:s14] =	ssyncset.done $0x0  }
0xa9: {  	[sflag:s14] =	ssyncadd.s32 $0xFFFFFF80  }
0xaa: {  	[spmem:s3] =	stream.indirect.scatter.add.f32 [tilespmem:s15], [sflag:$0x3], $0x1, s28, s17, $0xb8;
	[tilespmem:$0xD78] =	vst v63  }
0xab: {  	_ =	swait.ge [sflag:s14], $0x80  }
0xac: {  	[sflag:s14] =	ssyncset.done $0x0  }
0xad: {  	[sflag:s14] =	ssyncadd.s32 $0xFFFFFF80  }
0xae: {  	[spmem:s3] =	stream.indirect.scatter.add.f32 [tilespmem:s15], [sflag:$0x3], $0x1, s29, s17, $0xb8;
	[tilespmem:$0xD78] =	vst v63  }
0xaf: {  	_ =	swait.ge [sflag:s14], $0x80  }
0xb0: {  	[sflag:s14] =	ssyncset.done $0x0  }
0xb1: {  	[sflag:s14] =	ssyncadd.s32 $0xFFFFFF80  }
0xb2: {  	[spmem:s3] =	stream.indirect.scatter.add.f32 [tilespmem:s15], [sflag:$0x3], $0x1, s30, s17, $0xb8;
	[tilespmem:$0xD78] =	vst v63  }
0xb3: {  	_ =	swait.ge [sflag:s14], $0x80  }
0xb4: {  	[sflag:s14] =	ssyncset.done $0x0  }
0xb5: {  	[sflag:s14] =	ssyncadd.s32 $0xFFFFFF80  }
0xb6: {  	[spmem:s3] =	stream.indirect.scatter.add.f32 [tilespmem:s15], [sflag:$0x3], $0x1, s31, s17, $0xb8;
	[tilespmem:$0xD78] =	vst v63  }
0xb7: {  	_ =	swait.ge [sflag:s14], $0x80  }
.Ltmp0:
0xb8: {  	[sflag:s14] =	ssyncset.done $0x0;
	(pc) =	sbr.rel @p0 .LBB2_2-.Ltmp0, $4  }
0xb9: {  	[sflag:s14] =	ssyncadd.s32 $0xFFFFFF80  }
0xba: {  	[spmem:s3] =	stream.indirect.scatter.add.f32 [tilespmem:s15], [sflag:$0x3], $0x1, s0, s17, $0xb8;
	[tilespmem:$0xD78] =	vst v63  }
0xbb: {  	_ =	swait.ge [sflag:s14], $0x80  }
0xbc: {  	s6 =	sadd.s32 $0x100, s6;
	p1 =	seq.s32 s5, $0x0;
	[sflag:s14] =	ssyncset.done $0x0  }
0xbd: {  	s8 =	simm.s32 @!p1 $0x1;
	[sflag:s14] =	ssyncadd.s32 $0xFFFFFF80  }
0xbe: {  	_ =	swait.ge @!p1 [sflag:s8], $0x400  }
0xbf: {  	[sflag:s8] =	ssyncset.done @!p1 $0x0  }
0xc0: {  	[sflag:s8] =	ssyncadd.s32 @!p1 $0xFFFFFC00  }
0xc1: {  	[tilespmem:s16], [sflag:$0x2] =	stream.linear.gather [hbm4b:s6+s4], $0x400, $0x38;
	[tilespmem:$0xD78] =	vst v63  }
0xc2: {  	_ = 	snop  }
0xc3: {  	[spmem:s3] =	stream.indirect.scatter.add.f32 [tilespmem:s15], [sflag:$0x3], $0x1, s4, s17, $0xb8;
	[tilespmem:$0xD78] =	vst v63  }
0xc4: {  	_ =	swait.ge [sflag:s14], $0x80  }
0xc5: {  	[sflag:s14] =	ssyncset.done $0x0  }
0xc6: {  	[sflag:s14] =	ssyncadd.s32 $0xFFFFFF80  }
0xc7: {  	[spmem:s3] =	stream.indirect.scatter.add.f32 [tilespmem:s15], [sflag:$0x3], $0x1, s17, s17, $0xb8;
	[tilespmem:$0xD78] =	vst v63  }
0xc8: {  	_ =	swait.ge [sflag:s14], $0x80  }
0xc9: {  	[sflag:s14] =	ssyncset.done $0x0  }
0xca: {  	[sflag:s14] =	ssyncadd.s32 $0xFFFFFF80  }
0xcb: {  	[spmem:s3] =	stream.indirect.scatter.add.f32 [tilespmem:s15], [sflag:$0x3], $0x1, s18, s17, $0xb8;
	[tilespmem:$0xD78] =	vst v63  }
0xcc: {  	_ =	swait.ge [sflag:s14], $0x80  }
0xcd: {  	[sflag:s14] =	ssyncset.done $0x0  }
0xce: {  	[sflag:s14] =	ssyncadd.s32 $0xFFFFFF80  }
0xcf: {  	[spmem:s3] =	stream.indirect.scatter.add.f32 [tilespmem:s15], [sflag:$0x3], $0x1, s19, s17, $0xb8;
	[tilespmem:$0xD78] =	vst v63  }
0xd0: {  	_ =	swait.ge [sflag:s14], $0x80  }
0xd1: {  	[sflag:s14] =	ssyncset.done $0x0  }
0xd2: {  	[sflag:s14] =	ssyncadd.s32 $0xFFFFFF80  }
0xd3: {  	[spmem:s3] =	stream.indirect.scatter.add.f32 [tilespmem:s15], [sflag:$0x3], $0x1, s20, s17, $0xb8;
	[tilespmem:$0xD78] =	vst v63  }
0xd4: {  	_ =	swait.ge [sflag:s14], $0x80  }
0xd5: {  	[sflag:s14] =	ssyncset.done $0x0  }
0xd6: {  	[sflag:s14] =	ssyncadd.s32 $0xFFFFFF80  }
0xd7: {  	[spmem:s3] =	stream.indirect.scatter.add.f32 [tilespmem:s15], [sflag:$0x3], $0x1, s21, s17, $0xb8;
	[tilespmem:$0xD78] =	vst v63  }
0xd8: {  	_ =	swait.ge [sflag:s14], $0x80  }
0xd9: {  	[sflag:s14] =	ssyncset.done $0x0  }
0xda: {  	[sflag:s14] =	ssyncadd.s32 $0xFFFFFF80  }
0xdb: {  	[spmem:s3] =	stream.indirect.scatter.add.f32 [tilespmem:s15], [sflag:$0x3], $0x1, s22, s17, $0xb8;
	[tilespmem:$0xD78] =	vst v63  }
0xdc: {  	_ =	swait.ge [sflag:s14], $0x80  }
0xdd: {  	[sflag:s14] =	ssyncset.done $0x0  }
0xde: {  	[sflag:s14] =	ssyncadd.s32 $0xFFFFFF80  }
0xdf: {  	[spmem:s3] =	stream.indirect.scatter.add.f32 [tilespmem:s15], [sflag:$0x3], $0x1, s23, s17, $0xb8;
	[tilespmem:$0xD78] =	vst v63  }
0xe0: {  	_ =	swait.ge [sflag:s14], $0x80  }
0xe1: {  	[sflag:s14] =	ssyncset.done $0x0  }
0xe2: {  	p0 =	seq.s32 s5, $0x2000;
	[sflag:s14] =	ssyncadd.s32 $0xFFFFFF80  }
0xe3: {  	s5 =	sadd.s32 @!p0 s5, s11;
	_ =	swait.ge [sflag:s24], $0x400  }
0xe4: {  	s5 =	sshrl.u32 @!p0 s5, $0x3;
	[sflag:s24] =	ssyncset.done $0x0  }
0xe5: {  	s5 =	sadd.s32 @!p0 s1, s5;
	s6 =	simm.s32 @!p0 $0x0;
	[sflag:s24] =	ssyncadd.s32 $0xFFFFFC00  }
0xe6: {  	[tilespmem:s6], [sflag:$0x1] =	stream.linear.gather @!p0 [hbm4b:s5+s6], $0x400, $0x38;
	[tilespmem:$0xD78] =	vst v63  }
0xe7: {  	_ = 	snop  }
0xe8: {  	[spmem:s3] =	stream.indirect.scatter.add.f32 [tilespmem:s15], [sflag:$0x3], $0x1, s16, s17, $0xb8;
	[tilespmem:$0xD78] =	vst v63  }
0xe9: {  	_ =	swait.ge [sflag:s14], $0x80  }
0xea: {  	[sflag:s14] =	ssyncset.done $0x0  }
0xeb: {  	[sflag:s14] =	ssyncadd.s32 $0xFFFFFF80  }
0xec: {  	[spmem:s3] =	stream.indirect.scatter.add.f32 [tilespmem:s15], [sflag:$0x3], $0x1, s25, s17, $0xb8;
	[tilespmem:$0xD78] =	vst v63  }
0xed: {  	_ =	swait.ge [sflag:s14], $0x80  }
0xee: {  	[sflag:s14] =	ssyncset.done $0x0  }
0xef: {  	[sflag:s14] =	ssyncadd.s32 $0xFFFFFF80  }
0xf0: {  	[spmem:s3] =	stream.indirect.scatter.add.f32 [tilespmem:s15], [sflag:$0x3], $0x1, s26, s17, $0xb8;
	[tilespmem:$0xD78] =	vst v63  }
0xf1: {  	_ =	swait.ge [sflag:s14], $0x80  }
0xf2: {  	[sflag:s14] =	ssyncset.done $0x0  }
0xf3: {  	[sflag:s14] =	ssyncadd.s32 $0xFFFFFF80  }
0xf4: {  	[spmem:s3] =	stream.indirect.scatter.add.f32 [tilespmem:s15], [sflag:$0x3], $0x1, s28, s17, $0xb8;
	[tilespmem:$0xD78] =	vst v63  }
0xf5: {  	_ =	swait.ge [sflag:s14], $0x80  }
0xf6: {  	[sflag:s14] =	ssyncset.done $0x0  }
0xf7: {  	[sflag:s14] =	ssyncadd.s32 $0xFFFFFF80  }
0xf8: {  	[spmem:s3] =	stream.indirect.scatter.add.f32 [tilespmem:s15], [sflag:$0x3], $0x1, s29, s17, $0xb8;
	[tilespmem:$0xD78] =	vst v63  }
0xf9: {  	_ =	swait.ge [sflag:s14], $0x80  }
0xfa: {  	[sflag:s14] =	ssyncset.done $0x0  }
0xfb: {  	[sflag:s14] =	ssyncadd.s32 $0xFFFFFF80  }
0xfc: {  	[spmem:s3] =	stream.indirect.scatter.add.f32 [tilespmem:s15], [sflag:$0x3], $0x1, s30, s17, $0xb8;
	[tilespmem:$0xD78] =	vst v63  }
0xfd: {  	_ =	swait.ge [sflag:s14], $0x80  }
0xfe: {  	[sflag:s14] =	ssyncset.done $0x0  }
0xff: {  	[sflag:s14] =	ssyncadd.s32 $0xFFFFFF80  }
0x100: {  	[spmem:s3] =	stream.indirect.scatter.add.f32 [tilespmem:s15], [sflag:$0x3], $0x1, s31, s17, $0xb8;
	[tilespmem:$0xD78] =	vst v63  }
0x101: {  	_ =	swait.ge [sflag:s14], $0x80  }
0x102: {  	[sflag:s14] =	ssyncset.done $0x0  }
0x103: {  	[sflag:s14] =	ssyncadd.s32 $0xFFFFFF80  }
0x104: {  	[spmem:s3] =	stream.indirect.scatter.add.f32 [tilespmem:s15], [sflag:$0x3], $0x1, s0, s17, $0xb8;
	[tilespmem:$0xD78] =	vst v63  }
0x105: {  	_ =	swait.ge [sflag:s14], $0x80  }
0x106: {  	[sflag:s14] =	ssyncset.done $0x0  }
0x107: {  	[sflag:s14] =	ssyncadd.s32 $0xFFFFFF80  }
0x108: {  	[bflag:$0x0] =	sbarrier.arrive $0xFFFF  }
0x109: {  	[tilespmem:s13], [sflag:$0x3] =	stream.linear.gather [spmem:s7], $0x278, $0x38;
	[tilespmem:$0xD78] =	vst v63  }
0x10a: {  	_ =	swait.ge [sflag:s14], $0x278  }
0x10b: {  	[sflag:s14] =	ssyncset.done $0x0  }
0x10c: {  	s9 =	rddreg [dreg:$0x7];
	[sflag:s14] =	ssyncadd.s32 $0xFFFFFD88  }
0x10d: {  	[hbm4b:s9+s4] =	stream.linear.scatter [tilespmem:s13], [sflag:$0x3], $0x278, $0x38;
	[tilespmem:$0xD78] =	vst v63  }
0x10e: {  	_ =	swait.ge [sflag:s14], $0x278  }
0x10f: {  	s2 =	sadd.s32 $0x1, s2;
	s10 =	rddreg [dreg:$0x8]  }
0x110: {  	p0 =	sne.s32 s2, s10  }
.Ltmp1:
0x111: {  	_ = 	snop;
	(pc) =	sbr.rel @p0 .LBB2_1-.Ltmp1, $3  }
0x112: {  	_ =	sdelay $0x1  }
0x113: {  	[sflag:s14] =	ssyncset.done $0x0  }
0x114: {  	[sflag:s14] =	ssyncadd.s32 $0xFFFFFD88  }
0x115: {  	_ =	sfence.sel $0x180000  }
0x116: {  	[bflag:$0x0] =	sbarrier.arrive $0xFFFF  }
0x117: {  	_ =	strace $0x90000047  }
0x118: {  	s0 =	stileid.u32;
	[bflag:$0x2] =	sbarrier.arrive $0xFFFF  }
0x119: {  	p0 =	sne.s32 s0, $0x0;
	s0 =	rddreg [dreg:$0x3]  }
0x11a: {  	s0 =	sadd.s32 @!p0 $0x100000, s0  }
0x11b: {  	[sflag:s0] =	ssyncadd.tile.s32 @!p0 $0x1;
	_ =	shalt  }
.Lfunc_end2:
_tile_overlayer_lowered:
.L_overlay_start_2:
0x11c: {  	(tag) =	ssettag $0x2  }
0x11d: {  	s0 =	rddreg [dreg:$0x0];
	s2 =	stileid.u32  }
0x11e: {  	s1 =	rddreg [dreg:$0x1];
	p0 =	sne.s32 s2, $0x0  }
0x11f: {  	s3 =	rddreg [dreg:$0x2];
	[bflag:$0x3] =	sbarrier.arrive $0xFFFF;
	s2 =	simm.s32 @!p0 $0x1C03  }
0x120: {  	[timem:s3], [sflag:s2] =	dma.local @!p0 [hbm:s0], s1  }
0x121: {  	s0 =	simm.s32 @!p0 $0x3  }
0x122: {  	_ =	swait.ge @!p0 [sflag:s0], s1  }
0x123: {  	s1 =	ssub.s32 @!p0 $0x0, s1;
	[sflag:s0] =	ssyncset.done @!p0 $0x0  }
0x124: {  	[sflag:s0] =	ssyncadd.s32 @!p0 s1  }
0x125: {  	[bflag:$0x3] =	sbarrier.arrive $0xFFFF  }
0x126: {  	_ =	shalt  }

// kernel: kernel.9.cloned.1.call-start
scs
__scs_entry_jumppad:
0x0: {  	(pc) =	sbr.rel $0x88, $3  }
0x1: {  	(tag) =	ssettag $0x0;
	lr =	simm.s32 $0x1  }
0x2: {  	[smem:$0x3F9D] =	sst lr;
	_ =	strace $0xD0000000  }
0x3: {  	_ = 	snop  }
0x4: {  	_ = 	snop  }
0x5: {  	_ = 	snop  }
0x6: {  	_ = 	snop  }
0x7: {  	_ = 	snop  }
__scs_overlays_trampoline_lowered:
0x8: {  	[smem:$0x3FAC] =	sst s0  }
0x9: {  	[smem:$0x3FAD] =	sst s1  }
0xa: {  	[smem:$0x3FAE] =	sst s2  }
0xb: {  	[smem:$0x3FAF] =	sst s3  }
0xc: {  	[smem:$0x3FB0] =	sst s4  }
0xd: {  	[smem:$0x3FB1] =	sst s5  }
0xe: {  	[smem:$0x3FB2] =	sst s6  }
0xf: {  	[smem:$0x3FB3] =	sst s7  }
0x10: {  	[smem:$0x3FB4] =	sst s8  }
0x11: {  	[smem:$0x3FB5] =	sst s9;
	s0 =	simm.s32 @!p0 $0x0  }
0x12: {  	s1 =	sld [smem:$0x3F9B];
	s0 =	simm.s32 @p0 $0x1  }
0x13: {  	[smem:$0x3FB6] =	sst s0;
	s0 =	simm.s32 @!p1 $0x0  }
0x14: {  	s2 =	sld [smem:$0x3F9A];
	s0 =	simm.s32 @p1 $0x1  }
0x15: {  	[smem:$0x3FB7] =	sst s0;
	s0 =	simm.s32 @!p2 $0x0  }
0x16: {  	s3 =	sld [smem:$0x3FDB];
	s0 =	simm.s32 @p2 $0x1  }
0x17: {  	s4 =	simm.s32 $0x1BF5;
	[smem:$0x3FB9] =	sst s0  }
0x18: {  	s0 =	sld [smem:$0x3F9C];
	_ =	swait.ge [sflag:s4], $0x0  }
0x19: {  	s7 =	sld [smem:$0x3F9D]  }
0x1a: {  	s8 =	sadd.s32 $0xFFFFE003, lr  }
0x1b: {  	s9 =	sadd.s32 $0xFFFFFEF7, lr;
	s5 =	simm.s32 $0xFFFFFFFF;
	p2 =	slt.u32 s8, $0xFFFFF086  }
0x1c: {  	p1 =	slt.u32 s9, $0xF7A;
	s5 =	simm.s32 @!p2 $0x0  }
0x1d: {  	s5 =	simm.s32 @p1 $0x1;
	p0 =	seq.s32 s7, s2  }
0x1e: {  	s7 =	smul.u32 @!p0 $0xF7A, s2;
	p2 =	seq.s32 @!p0 s5, $0x0  }
0x1f: {  	s9 =	smul.u32 $0xF7A, s1;
	s8 =	simm.s32 @!p0 $0x1BF5;
	p2 =	por !p2, p0  }
0x20: {  	[sflag:s8] =	ssyncset.s32 @!p0 $0xFFFFF086;
	s6 =	sadd.s32 @!p0 s3, s7;
	s7 =	simm.s32 @!p0 $0x108  }
0x21: {  	s3 =	sadd.s32 s3, s9;
	s6 =	sadd.s32 @!p0 $0x88, s6;
	s7 =	simm.s32 @p2 $0x1082  }
0x22: {  	[simem:s7], [sflag:s8] =	dma.local @!p0 [hbm:s6], $0xF7A  }
0x23: {  	s9 =	sor.u32 $0xD0000000, s2;
	s6 =	simm.s32 $0x108;
	_ =	swait.ge @!p0 [sflag:s8], $0x0  }
0x24: {  	s3 =	sadd.s32 $0x88, s3;
	s6 =	simm.s32 @!p1 $0x1082;
	[sflag:s4] =	ssyncset.s32 $0xFFFFF086  }
0x25: {  	[simem:s6], [sflag:s4] =	dma.local [hbm:s3], $0xF7A  }
0x26: {  	[smem:$0x3F9D] =	sst s1;
	(tag) =	ssettag s2;
	_ =	strace s9  }
0x27: {  	s1 =	sld [smem:$0x3FAD]  }
0x28: {  	s2 =	sld [smem:$0x3FAE]  }
0x29: {  	s4 =	sld [smem:$0x3FB0]  }
0x2a: {  	p0 =	seq.s32 s5, $0x0;
	s5 =	sld [smem:$0x3FB1]  }
0x2b: {  	s6 =	sld [smem:$0x3FB2]  }
0x2c: {  	s7 =	sld [smem:$0x3FB3]  }
0x2d: {  	s3 =	simm.s32 $0x108;
	s8 =	sld [smem:$0x3FB4]  }
0x2e: {  	s3 =	simm.s32 @!p0 $0x1082;
	s9 =	sld [smem:$0x3FB5]  }
0x2f: {  	lr =	sadd.s32 s0, s3;
	s0 =	sld [smem:$0x3FAC]  }
0x30: {  	s3 =	sld [smem:$0x3FAF]  }
0x31: {  	[smem:$0x3FB8] =	sst s10  }
0x32: {  	s10 =	sld [smem:$0x3FB6];
	_ =	sdelay $0x3  }
0x33: {  	p0 =	seq.s32 s10, $0x1;
	s10 =	sld [smem:$0x3FB8];
	_ =	sdelay $0x3  }
0x34: {  	[smem:$0x3FB8] =	sst s10  }
0x35: {  	s10 =	sld [smem:$0x3FB7];
	_ =	sdelay $0x3  }
0x36: {  	p1 =	seq.s32 s10, $0x1;
	s10 =	sld [smem:$0x3FB8];
	_ =	sdelay $0x3  }
0x37: {  	[smem:$0x3FB8] =	sst s10  }
0x38: {  	s10 =	sld [smem:$0x3FB9]  }
0x39: {  	_ = 	snop;
	(pc) =	sbr.ind lr, $3  }
0x3a: {  	_ = 	snop  }
0x3b: {  	_ = 	snop  }
0x3c: {  	p2 =	seq.s32 s10, $0x1;
	s10 =	sld [smem:$0x3FB8]  }
0x3d: {  	_ =	shalt  }
0x3e: {  	_ =	shalt  }
0x3f: {  	_ =	shalt  }
0x40: {  	_ =	shalt  }
0x41: {  	_ =	shalt  }
0x42: {  	_ =	shalt  }
0x43: {  	_ =	shalt  }
0x44: {  	_ =	shalt  }
0x45: {  	_ =	shalt  }
0x46: {  	_ =	shalt  }
0x47: {  	_ =	shalt  }
0x48: {  	_ =	shalt  }
0x49: {  	_ =	shalt  }
0x4a: {  	_ =	shalt  }
0x4b: {  	_ =	shalt  }
0x4c: {  	_ =	shalt  }
0x4d: {  	_ =	shalt  }
0x4e: {  	_ =	shalt  }
0x4f: {  	_ =	shalt  }
0x50: {  	_ =	shalt  }
0x51: {  	_ =	shalt  }
0x52: {  	_ =	shalt  }
0x53: {  	_ =	shalt  }
0x54: {  	_ =	shalt  }
0x55: {  	_ =	shalt  }
0x56: {  	_ =	shalt  }
0x57: {  	_ =	shalt  }
0x58: {  	_ =	shalt  }
0x59: {  	_ =	shalt  }
0x5a: {  	_ =	shalt  }
0x5b: {  	_ =	shalt  }
0x5c: {  	_ =	shalt  }
0x5d: {  	_ =	shalt  }
0x5e: {  	_ =	shalt  }
0x5f: {  	_ =	shalt  }
0x60: {  	_ =	shalt  }
0x61: {  	_ =	shalt  }
0x62: {  	_ =	shalt  }
0x63: {  	_ =	shalt  }
0x64: {  	_ =	shalt  }
0x65: {  	_ =	shalt  }
0x66: {  	_ =	shalt  }
0x67: {  	_ =	shalt  }
0x68: {  	_ =	shalt  }
0x69: {  	_ =	shalt  }
0x6a: {  	_ =	shalt  }
0x6b: {  	_ =	shalt  }
0x6c: {  	_ =	shalt  }
0x6d: {  	_ =	shalt  }
0x6e: {  	_ =	shalt  }
0x6f: {  	_ =	shalt  }
0x70: {  	_ =	shalt  }
0x71: {  	_ =	shalt  }
0x72: {  	_ =	shalt  }
0x73: {  	_ =	shalt  }
0x74: {  	_ =	shalt  }
0x75: {  	_ =	shalt  }
0x76: {  	_ =	shalt  }
0x77: {  	_ =	shalt  }
0x78: {  	_ =	shalt  }
0x79: {  	_ =	shalt  }
0x7a: {  	_ =	shalt  }
0x7b: {  	_ =	shalt  }
0x7c: {  	_ =	shalt  }
0x7d: {  	_ =	shalt  }
0x7e: {  	_ =	shalt  }
0x7f: {  	_ =	shalt  }
0x80: {  	_ =	shalt  }
0x81: {  	_ =	shalt  }
0x82: {  	_ =	shalt  }
0x83: {  	_ =	shalt  }
0x84: {  	_ =	shalt  }
0x85: {  	_ =	shalt  }
0x86: {  	_ =	shalt  }
0x87: {  	_ =	shalt  }
.Lfunc_end0:
.L_simem_size_0:
called_computation.1_lowered:
.L_overlay_start_0:
0x88: {  	s2 =	sld [smem:$0x3FD9]  }
0x89: {  	s3 =	sld [smem:$0x3FFE];
	_ =	sdelay $0x1  }
0x8a: {  	s1 =	srdreg.scid  }
0x8b: {  	s0 =	sand.u32 $0x1, s1  }
0x8c: {  	s17 =	sshll.u32 s0, $0xA;
	s2 =	sadd.s32 s3, s2  }
0x8d: {  	s2 =	sadd.s32 s2, s17  }
0x8e: {  	[smem:$0x3FC4] =	sst s2  }
0x8f: {  	_ = 	snop  }
0x90: {  	s2 =	sld [smem:$0x3FD0];
	(tm) =	ssettm $0x1  }
0x91: {  	s18 =	sld [smem:$0x3FFB];
	_ =	sdelay $0x3  }
0x92: {  	_ =	strace s18  }
0x93: {  	s3 =	sld [smem:$0x3FFC];
	_ =	sdelay $0x3  }
0x94: {  	_ =	strace s3  }
0x95: {  	s3 =	sld [smem:$0x3FFD];
	_ =	sdelay $0x3  }
0x96: {  	_ =	strace s3  }
0x97: {  	_ =	strace $0x8FFFFFFF  }
0x98: {  	s19 =	sld [smem:$0x3FDB];
	_ =	sdelay $0x1  }
0x99: {  	s4 =	simm.s32 $_scs_section_size  }
0x9a: {  	s5 =	simm.s32 $_size__tile_overlayer_lowered;
	s6 =	simm.s32 $_tile_overlayer_lowered  }
0x9b: {  	s22 =	simm.s32 $0x1BFF;
	s21 =	sshll.u32 s6, $0x1;
	s3 =	sadd.s32 s4, s19  }
0x9c: {  	s7 =	simm.s32 $0x0;
	s20 =	sshll.u32 s5, $0x1;
	s5 =	sadd.s32 s21, s3  }
0x9d: {  	[timem:s7], [sflag:s22] =	dma.local [hbm:s5], s20  }
0x9e: {  	_ =	swait.ge [sflag:s22], s20  }
0x9f: {  	s4 =	ssub.s32 $0x0, s20;
	[sflag:s22] =	ssyncset.done $0x0  }
0xa0: {  	[sflag:s22] =	ssyncadd.s32 s4;
	_ =	sdelay $0x1  }
0xa1: {  	s23 =	simm.s32 $0x1B8B  }
0xa2: {  	_ =	swait.ge [sflag:s23], $0x1  }
0xa3: {  	[sflag:s23] =	ssyncset.done $0x0  }
0xa4: {  	s25 =	simm.s32 $0x1B8E;
	s24 =	sld [smem:$0x3FFE];
	[sflag:s23] =	ssyncadd.s32 $0xFFFFFFFF  }
0xa5: {  	s26 =	simm.s32 $execute0_lowered;
	[smem:$0x3FD2] =	sst s25  }
0xa6: {  	s5 =	sshll.u32 s26, $0x1;
	_ =	strace $0x80000049;
	[dreg:$0x1] =	wrdreg $0xFFFFFFFF  }
0xa7: {  	s28 =	simm.s32 $_size_execute0_lowered;
	s3 =	sadd.s32 s3, s5;
	[dreg:$0x0] =	wrdreg $0x0  }
0xa8: {  	s5 =	sshll.u32 s28, $0x1;
	[dreg:$0x2] =	wrdreg s3  }
0xa9: {  	[dreg:$0x3] =	wrdreg s5  }
0xaa: {  	[dreg:$0x4] =	wrdreg $0xC0  }
0xab: {  	_ =	task [dreg:s7], $0x5FFFF  }
0xac: {  	[dreg:$0x1] =	wrdreg $0xFFFFFFFF  }
0xad: {  	[dreg:$0x0] =	wrdreg $0x60  }
0xae: {  	[dreg:$0x2] =	wrdreg s2  }
0xaf: {  	[dreg:$0x3] =	wrdreg s24  }
0xb0: {  	[dreg:$0x4] =	wrdreg $0x90000  }
0xb1: {  	[dreg:$0x5] =	wrdreg $0x9  }
0xb2: {  	_ =	task.clear_ibuf [dreg:s7], $0x6FFFF;
	_ =	strace $0x90000049  }
0xb3: {  	s29 =	simm.s32 $0x9;
	_ =	strace $0x8000004B  }
0xb4: {  	_ =	swait.ge [sflag:s29], $0x1  }
0xb5: {  	[sflag:s29] =	ssyncadd.s32 $0xFFFFFFFF  }
0xb6: {  	_ =	strace $0x9000004B  }
0xb7: {  	_ =	sfence  }
0xb8: {  	s30 =	sld [smem:$0x0];
	_ =	sdelay $0x2  }
0xb9: {  	s31 =	sshll.u32 s1, $0xD;
	s1 =	sshrl.u32 s1, $0x2  }
0xba: {  	s3 =	sand.u32 $0x4000, s31;
	s1 =	sadd.s32 s1, s30  }
0xbb: {  	s0 =	sor.u32 s3, s0;
	s1 =	sshll.u32 s1, $0x11  }
0xbc: {  	s0 =	sor.u32 s1, s0  }
0xbd: {  	s0 =	sadd.s32 $0x8F2B, s0  }
0xbe: {  	[sflag:s0] =	ssyncadd.remote.s32 $0x1  }
0xbf: {  	_ =	sfence.sel $0xFFFF  }
0xc0: {  	[dreg:$0x0] =	wrdreg $0xFFFFFFFF;
	(pc) =	sbr.abs _section_cstart, $3  }
0xc1: {  	[dreg:$0x1] =	wrdreg $0xFFFFFFFF  }
0xc2: {  	_ =	task.clear_ibuf [dreg:s7], $0x2FFFF;
	_ =	strace $0x9FFFFFFF  }
0xc3: {  	(tm) =	ssettm $0x7FFFFFFF  }
tec
execute0_lowered:
.L_overlay_start_1:
0x0: {  	(tag) =	ssettag $0x1  }
0x1: {  	s0 =	rddreg [dreg:$0x0]  }
0x2: {  	s1 =	srdreg.scid;
	s6 =	rddreg [dreg:$0x1]  }
0x3: {  	s3 =	rddreg [dreg:$0x2];
	s2 =	stileid.u32  }
0x4: {  	s4 =	simm.s32 $0x0;
	s21 =	simm.s32 $0x2800;
	s22 =	simm.s32 $0x80  }
0x5: {  	s23 =	simm.s32 $0x1;
	s8 =	sand.u32 $0x1, s1;
	s1 =	rddreg [dreg:$0x3]  }
0x6: {  	s24 =	simm.s32 $0x0;
	[smem:$0x7FF] =	sst s4;
	s7 =	smul.u32 $0x4F000, s2  }
0x7: {  	s13 =	smul.u32 $0x13C00, s2;
	s17 =	sadd.s32 $0x16000, s6;
	s5 =	sshll.u32 s8, $0x4  }
0x8: {  	_ =	strace $0x8000004A;
	s9 =	ssub.s32 $0x2, s8;
	s20 =	smul.u32 $0x13C000, s8  }
0x9: {  	s5 =	sor.u32 s2, s5;
	s30 =	sshrl.u32 s9, $0x1;
	s31 =	sshrl.u32 s7, $0x2  }
0xa: {  	s14 =	sadd.s32 $0x4000, s13;
	s15 =	sadd.s32 $0x8000, s13;
	s16 =	sadd.s32 $0xC000, s13  }
0xb: {  	s19 =	sadd.s32 $0x10000, s13;
	s5 =	smul.u32 $0x500, s5;
	s18 =	ssub.s32 s9, s30  }
0xc: {  	s7 =	sadd.s32 s14, s3;
	s8 =	sadd.s32 s15, s3;
	s9 =	sadd.s32 s16, s3  }
0xd: {  	s10 =	sadd.s32 s19, s3;
	s13 =	sadd.s32 s13, s20;
	s14 =	sadd.s32 s20, s14  }
0xe: {  	s15 =	sadd.s32 s20, s15;
	s16 =	sadd.s32 s20, s16;
	s19 =	sadd.s32 s20, s19  }
0xf: {  	s20 =	simm.s32 $0x2;
	s13 =	sshrl.u32 s13, $0x3;
	s14 =	sshrl.u32 s14, $0x3  }
0x10: {  	s15 =	sshrl.u32 s15, $0x3;
	s16 =	sshrl.u32 s16, $0x3;
	s19 =	sshrl.u32 s19, $0x3  }
0x11: {  	s18 =	smax.u32 s18, $0x1;
	s12 =	sadd.s32 s5, s6;
	s5 =	sadd.s32 $0x1200, s6  }
0x12: {  	s6 =	sadd.s32 s31, s3;
	s13 =	sadd.s32 s17, s13;
	s14 =	sadd.s32 s17, s14  }
0x13: {  	s15 =	sadd.s32 s17, s15;
	s16 =	sadd.s32 s17, s16;
	s17 =	sadd.s32 s17, s19  }
0x14: {  	s19 =	simm.s32 $0x5000;
	s11 =	sadd.s32 $0x2000, s12;
	s12 =	sadd.s32 $0xC000, s12  }
.LBB2_1:
0x15: {  	[tilespmem:s19], [sflag:$0x2] =	stream.linear.gather [hbm4b:s5+s4], $0x4000, $0x38;
	[tilespmem:$0x1CC00] =	vst v63  }
0x16: {  	_ =	swait.ge [sflag:s20], $0x4000  }
0x17: {  	[sflag:s20] =	ssyncset.done $0x0  }
0x18: {  	[sflag:s20] =	ssyncadd.s32 $0xFFFFC000  }
0x19: {  	[spmem:s6] =	stream.linear.scatter [tilespmem:s19], [sflag:$0x2], $0x4000, $0x38;
	[tilespmem:$0x1CC00] =	vst v63  }
0x1a: {  	_ =	swait.ge [sflag:s20], $0x4000  }
0x1b: {  	[sflag:s20] =	ssyncset.done $0x0  }
0x1c: {  	[sflag:s20] =	ssyncadd.s32 $0xFFFFC000  }
0x1d: {  	[spmem:s7] =	stream.linear.scatter [tilespmem:s19], [sflag:$0x2], $0x4000, $0x38;
	[tilespmem:$0x1CC00] =	vst v63  }
0x1e: {  	_ =	swait.ge [sflag:s20], $0x4000  }
0x1f: {  	[sflag:s20] =	ssyncset.done $0x0  }
0x20: {  	[sflag:s20] =	ssyncadd.s32 $0xFFFFC000  }
0x21: {  	[spmem:s8] =	stream.linear.scatter [tilespmem:s19], [sflag:$0x2], $0x4000, $0x38;
	[tilespmem:$0x1CC00] =	vst v63  }
0x22: {  	_ =	swait.ge [sflag:s20], $0x4000  }
0x23: {  	[sflag:s20] =	ssyncset.done $0x0  }
0x24: {  	[sflag:s20] =	ssyncadd.s32 $0xFFFFC000  }
0x25: {  	[spmem:s9] =	stream.linear.scatter [tilespmem:s19], [sflag:$0x2], $0x4000, $0x38;
	[tilespmem:$0x1CC00] =	vst v63  }
0x26: {  	_ =	swait.ge [sflag:s20], $0x4000  }
0x27: {  	[sflag:s20] =	ssyncset.done $0x0  }
0x28: {  	[sflag:s20] =	ssyncadd.s32 $0xFFFFC000  }
0x29: {  	[spmem:s10] =	stream.linear.scatter [tilespmem:s19], [sflag:$0x2], $0x3C00, $0x38;
	[tilespmem:$0x1CC00] =	vst v63  }
0x2a: {  	_ =	swait.ge [sflag:s20], $0x3C00  }
0x2b: {  	[sflag:s20] =	ssyncset.done $0x0  }
0x2c: {  	[sflag:s20] =	ssyncadd.s32 $0xFFFFC400  }
0x2d: {  	[tilespmem:s4], [sflag:$0x2] =	stream.linear.gather [hbm4b:s11+s4], $0x2780, $0x38;
	[tilespmem:$0x1CC00] =	vst v63  }
0x2e: {  	_ =	swait.ge [sflag:s20], $0x2780  }
0x2f: {  	[sflag:s20] =	ssyncset.done $0x0  }
0x30: {  	[sflag:s20] =	ssyncadd.s32 $0xFFFFD880  }
0x31: {  	[tilespmem:s21], [sflag:$0x2] =	stream.linear.gather [hbm4b:s12+s4], $0x2780, $0x38;
	[tilespmem:$0x1CC00] =	vst v63  }
0x32: {  	_ =	swait.ge [sflag:s20], $0x2780  }
0x33: {  	[sflag:s20] =	ssyncset.done $0x0  }
0x34: {  	[sflag:s20] =	ssyncadd.s32 $0xFFFFD880  }
0x35: {  	s25 =	simm.s32 $0x0;
	[bflag:$0x0] =	sbarrier.arrive $0xFFFF  }
0x36: {  	[tilespmem:s19], [sflag:$0x1] =	stream.indirect.gather [hbm4b:s0+s22], $0x80, s25, s22, $0xb8;
	[tilespmem:$0x1CC00] =	vst v63  }
0x37: {  	_ =	swait.ge [sflag:s23], $0x4000  }
0x38: {  	[sflag:s23] =	ssyncset.done $0x0  }
0x39: {  	s31 =	simm.s32 $0x2800;
	[sflag:s23] =	ssyncadd.s32 $0xFFFFC000  }
0x3a: {  	[spmem:s3] =	stream.indirect.scatter.add.f32 [tilespmem:s19], [sflag:$0x2], $0x80, s31, s22, $0xb8;
	[tilespmem:$0x1CC00] =	vst v63  }
0x3b: {  	_ =	swait.ge [sflag:s20], $0x4000  }
0x3c: {  	s26 =	simm.s32 $0x400;
	s25 =	simm.s32 $0x200;
	[sflag:s20] =	ssyncset.done $0x0  }
.LBB2_2:
0x3d: {  	s28 =	sshra.s32 s25, $0x2  }
0x3e: {  	[sflag:s20] =	ssyncadd.s32 $0xFFFFC000;
	s25 =	smov.u32 s26;
	s29 =	sadd.s32 $0x200, s26  }
0x3f: {  	[tilespmem:s19], [sflag:$0x1] =	stream.indirect.gather [hbm4b:s0+s22], $0x80, s28, s22, $0xb8;
	[tilespmem:$0x1CC00] =	vst v63  }
0x40: {  	p0 =	sne.s32 s26, $0x9C00;
	_ =	swait.ge [sflag:s23], $0x4000  }
.Ltmp0:
0x41: {  	[sflag:s23] =	ssyncset.done $0x0;
	(pc) =	sbr.rel @p0 .LBB2_2-.Ltmp0, $4  }
0x42: {  	s26 =	sadd.s32 $0x2800, s28;
	[sflag:s23] =	ssyncadd.s32 $0xFFFFC000  }
0x43: {  	[spmem:s3] =	stream.indirect.scatter.add.f32 [tilespmem:s19], [sflag:$0x2], $0x80, s26, s22, $0xb8;
	[tilespmem:$0x1CC00] =	vst v63  }
0x44: {  	_ =	swait.ge [sflag:s20], $0x4000  }
0x45: {  	s26 =	smov.u32 s29;
	[sflag:s20] =	ssyncset.done $0x0  }
0x46: {  	s25 =	sshra.s32 s25, $0x2;
	[sflag:s20] =	ssyncadd.s32 $0xFFFFC000  }
0x47: {  	[tilespmem:s19], [sflag:$0x1] =	stream.indirect.gather [hbm4b:s0+s22], $0x80, s25, s22, $0xb8;
	[tilespmem:$0x1CC00] =	vst v63  }
0x48: {  	_ =	swait.ge [sflag:s23], $0x4000  }
0x49: {  	[sflag:s23] =	ssyncset.done $0x0  }
0x4a: {  	s25 =	sadd.s32 $0x2800, s25;
	[sflag:s23] =	ssyncadd.s32 $0xFFFFC000  }
0x4b: {  	[spmem:s3] =	stream.indirect.scatter.add.f32 [tilespmem:s19], [sflag:$0x2], $0x80, s25, s22, $0xb8;
	[tilespmem:$0x1CC00] =	vst v63  }
0x4c: {  	_ =	swait.ge [sflag:s20], $0x4000  }
0x4d: {  	[sflag:s20] =	ssyncset.done $0x0  }
0x4e: {  	[sflag:s20] =	ssyncadd.s32 $0xFFFFC000  }
0x4f: {  	[bflag:$0x0] =	sbarrier.arrive $0xFFFF  }
0x50: {  	[tilespmem:s19], [sflag:$0x2] =	stream.linear.gather [spmem:s6], $0x4000, $0x38;
	[tilespmem:$0x1CC00] =	vst v63  }
0x51: {  	_ =	swait.ge [sflag:s20], $0x4000  }
0x52: {  	[sflag:s20] =	ssyncset.done $0x0  }
0x53: {  	[sflag:s20] =	ssyncadd.s32 $0xFFFFC000  }
0x54: {  	[hbm4b:s13+s4] =	stream.linear.scatter [tilespmem:s19], [sflag:$0x2], $0x4000, $0x38;
	[tilespmem:$0x1CC00] =	vst v63  }
0x55: {  	_ =	swait.ge [sflag:s20], $0x4000  }
0x56: {  	[sflag:s20] =	ssyncset.done $0x0  }
0x57: {  	[sflag:s20] =	ssyncadd.s32 $0xFFFFC000  }
0x58: {  	[tilespmem:s19], [sflag:$0x2] =	stream.linear.gather [spmem:s7], $0x4000, $0x38;
	[tilespmem:$0x1CC00] =	vst v63  }
0x59: {  	_ =	swait.ge [sflag:s20], $0x4000  }
0x5a: {  	[sflag:s20] =	ssyncset.done $0x0  }
0x5b: {  	[sflag:s20] =	ssyncadd.s32 $0xFFFFC000  }
0x5c: {  	[hbm4b:s14+s4] =	stream.linear.scatter [tilespmem:s19], [sflag:$0x2], $0x4000, $0x38;
	[tilespmem:$0x1CC00] =	vst v63  }
0x5d: {  	_ =	swait.ge [sflag:s20], $0x4000  }
0x5e: {  	[sflag:s20] =	ssyncset.done $0x0  }
0x5f: {  	[sflag:s20] =	ssyncadd.s32 $0xFFFFC000  }
0x60: {  	[tilespmem:s19], [sflag:$0x2] =	stream.linear.gather [spmem:s8], $0x4000, $0x38;
	[tilespmem:$0x1CC00] =	vst v63  }
0x61: {  	_ =	swait.ge [sflag:s20], $0x4000  }
0x62: {  	[sflag:s20] =	ssyncset.done $0x0  }
0x63: {  	[sflag:s20] =	ssyncadd.s32 $0xFFFFC000  }
0x64: {  	[hbm4b:s15+s4] =	stream.linear.scatter [tilespmem:s19], [sflag:$0x2], $0x4000, $0x38;
	[tilespmem:$0x1CC00] =	vst v63  }
0x65: {  	_ =	swait.ge [sflag:s20], $0x4000  }
0x66: {  	[sflag:s20] =	ssyncset.done $0x0  }
0x67: {  	[sflag:s20] =	ssyncadd.s32 $0xFFFFC000  }
0x68: {  	[tilespmem:s19], [sflag:$0x2] =	stream.linear.gather [spmem:s9], $0x4000, $0x38;
	[tilespmem:$0x1CC00] =	vst v63  }
0x69: {  	_ =	swait.ge [sflag:s20], $0x4000  }
0x6a: {  	[sflag:s20] =	ssyncset.done $0x0  }
0x6b: {  	[sflag:s20] =	ssyncadd.s32 $0xFFFFC000  }
0x6c: {  	[hbm4b:s16+s4] =	stream.linear.scatter [tilespmem:s19], [sflag:$0x2], $0x4000, $0x38;
	[tilespmem:$0x1CC00] =	vst v63  }
0x6d: {  	_ =	swait.ge [sflag:s20], $0x4000  }
0x6e: {  	[sflag:s20] =	ssyncset.done $0x0  }
0x6f: {  	[sflag:s20] =	ssyncadd.s32 $0xFFFFC000  }
0x70: {  	[tilespmem:s19], [sflag:$0x2] =	stream.linear.gather [spmem:s10], $0x3C00, $0x38;
	[tilespmem:$0x1CC00] =	vst v63  }
0x71: {  	s24 =	sadd.s32 $0x1, s24;
	_ =	swait.ge [sflag:s20], $0x3C00  }
0x72: {  	p0 =	sne.s32 s24, s18;
	[sflag:s20] =	ssyncset.done $0x0  }
.Ltmp1:
0x73: {  	[sflag:s20] =	ssyncadd.s32 $0xFFFFC400;
	(pc) =	sbr.rel @p0 .LBB2_1-.Ltmp1, $4  }
0x74: {  	[hbm4b:s17+s4] =	stream.linear.scatter [tilespmem:s19], [sflag:$0x2], $0x3C00, $0x38;
	[tilespmem:$0x1CC00] =	vst v63  }
0x75: {  	_ =	swait.ge [sflag:s20], $0x3C00  }
0x76: {  	[sflag:s20] =	ssyncset.done $0x0  }
0x77: {  	[sflag:s20] =	ssyncadd.s32 $0xFFFFC400  }
0x78: {  	_ =	sfence.sel $0x180000  }
0x79: {  	[bflag:$0x0] =	sbarrier.arrive $0xFFFF  }
0x7a: {  	p0 =	sne.s32 s2, $0x0;
	_ =	strace $0x9000004A  }
0x7b: {  	s0 =	sadd.s32 @!p0 $0x100000, s1;
	[bflag:$0x2] =	sbarrier.arrive $0xFFFF  }
0x7c: {  	[sflag:s0] =	ssyncadd.tile.s32 @!p0 $0x1;
	_ =	shalt  }
.Lfunc_end2:
_tile_overlayer_lowered:
.L_overlay_start_2:
0x7d: {  	(tag) =	ssettag $0x2  }
0x7e: {  	s0 =	rddreg [dreg:$0x0];
	s2 =	stileid.u32  }
0x7f: {  	s1 =	rddreg [dreg:$0x1];
	p0 =	sne.s32 s2, $0x0  }
0x80: {  	s3 =	rddreg [dreg:$0x2];
	[bflag:$0x3] =	sbarrier.arrive $0xFFFF;
	s2 =	simm.s32 @!p0 $0x1C02  }
0x81: {  	[timem:s3], [sflag:s2] =	dma.local @!p0 [hbm:s0], s1  }
0x82: {  	s0 =	simm.s32 @!p0 $0x2  }
0x83: {  	_ =	swait.ge @!p0 [sflag:s0], s1  }
0x84: {  	s1 =	ssub.s32 @!p0 $0x0, s1;
	[sflag:s0] =	ssyncset.done @!p0 $0x0  }
0x85: {  	[sflag:s0] =	ssyncadd.s32 @!p0 s1  }
0x86: {  	[bflag:$0x3] =	sbarrier.arrive $0xFFFF  }
0x87: {  	_ =	shalt  }

</sc_bundles>
